<compile_context>
chip_gen: v7x
topology: tpu7x:2x2x1
jax: 0.10.2.dev20260603
libtpu: 0.0.44.dev20260713+nightly
codegen_flags: <defaults>
</compile_context>

<pallas_src>
import functools

import jax
import jax.numpy as jnp
from jax import lax
from jax.experimental import pallas as pl
from jax.experimental.pallas import tpu as pltpu
from jax.experimental.pallas import tpu_sc as plsc

NH = 12
HD = 64



def _rms(x, scale):
    return x * lax.rsqrt(jnp.mean(x * x, axis=-1, keepdims=True) + 1e-6) * scale


def _emb_gather(table, idx_flat):
    T = idx_flat.shape[0]
    V, D = table.shape
    NC, NS = 2, 16
    NW = NC * NS
    b_per_w = T // NW
    mesh = plsc.VectorSubcoreMesh(core_axis_name="c", subcore_axis_name="s")

    @functools.partial(
        pl.kernel, mesh=mesh,
        out_type=jax.ShapeDtypeStruct((T, D), jnp.float32),
        scratch_types=[
            pltpu.VMEM((b_per_w,), jnp.int32),
            pltpu.VMEM((b_per_w, D), jnp.float32),
            pltpu.SemaphoreType.DMA,
        ],
    )
    def gk(table_hbm, idx_hbm, out_hbm, idx_v, rows_v, sem):
        wid = lax.axis_index("s") * NC + lax.axis_index("c")
        base = wid * b_per_w
        pltpu.sync_copy(idx_hbm.at[pl.ds(base, b_per_w)], idx_v)
        pltpu.async_copy(table_hbm.at[idx_v], rows_v, sem).wait()
        pltpu.sync_copy(rows_v, out_hbm.at[pl.ds(base, b_per_w)])

    return gk(table, idx_flat)


def _qkv_body(x_ref, sc_ref, c32_ref, s32_ref, ec_ref, es_ref,
              wq_ref, wqs_ref, wk_ref, wks_ref,
              wv_ref, bq_ref, bk_ref, bv_ref, q_ref, k_ref, v_ref,
              c_s, s_s, *, blk):
    h = pl.program_id(1)
    dn0 = (((1,), (0,)), ((), ()))

    @pl.when(h == 0)
    def _():
        c_s[...] = lax.dot_general(c32_ref[...], ec_ref[...], dn0,
                                   preferred_element_type=jnp.float32)
        s_s[...] = lax.dot_general(s32_ref[...], es_ref[...], dn0,
                                   preferred_element_type=jnp.float32)

    xn = _rms(x_ref[...], sc_ref[...])
    a = xn * c_s[...]
    b = xn * s_s[...]
    dn = (((1,), (1,)), ((), ()))

    def mm(u, w_ref):
        return lax.dot_general(u, w_ref[0], dn,
                               preferred_element_type=jnp.float32)

    q_ref[0] = mm(a, wq_ref) + mm(b, wqs_ref) + bq_ref[0]
    k_ref[0] = mm(a, wk_ref) + mm(b, wks_ref) + bk_ref[0]
    v_ref[0] = mm(xn, wv_ref) + bv_ref[0]


def _qkv(x, scale, c32, s32, ec, es, wq3, wqs3, wk3, wks3, wv3, bq3, bk3, bv3,
         blk=512):
    T, D = x.shape
    HH = c32.shape[1]
    out = jax.ShapeDtypeStruct((NH, T, HD), jnp.float32)
    wspec = pl.BlockSpec((1, HD, D), lambda i, h: (h, 0, 0))
    bspec = pl.BlockSpec((1, 1, HD), lambda i, h: (h, 0, 0))
    return pl.pallas_call(
        functools.partial(_qkv_body, blk=blk),
        grid=(T // blk, NH),
        in_specs=[
            pl.BlockSpec((blk, D), lambda i, h: (i, 0)),
            pl.BlockSpec((D,), lambda i, h: (0,)),
            pl.BlockSpec((blk, HH), lambda i, h: (i, 0)),
            pl.BlockSpec((blk, HH), lambda i, h: (i, 0)),
            pl.BlockSpec((HH, D), lambda i, h: (0, 0)),
            pl.BlockSpec((HH, D), lambda i, h: (0, 0)),
            wspec, wspec, wspec, wspec, wspec,
            bspec, bspec, bspec,
        ],
        out_specs=[pl.BlockSpec((1, blk, HD), lambda i, h: (h, i, 0))] * 3,
        out_shape=[out, out, out],
        scratch_shapes=[pltpu.VMEM((blk, D), jnp.float32),
                        pltpu.VMEM((blk, D), jnp.float32)],
    )(x, scale, c32, s32, ec, es, wq3, wqs3, wk3, wks3, wv3, bq3, bk3, bv3)


def _attn_body(q_ref, k_ref, v_ref, o_ref, *, half, bq, win):
    qb = pl.program_id(1)
    q = q_ref[0]
    ntile = half // bq
    start = jnp.maximum(qb - ntile, 0) * bq
    kw = k_ref[0, pl.ds(start, win), :]
    vw = v_ref[0, pl.ds(start, win), :]
    dn = (((1,), (1,)), ((), ()))
    s = lax.dot_general(q, kw, dn, preferred_element_type=jnp.float32) * (HD ** -0.5)
    rows = qb * bq + lax.broadcasted_iota(jnp.int32, (bq, win), 0)
    cols = start + lax.broadcasted_iota(jnp.int32, (bq, win), 1)
    bad = (cols > rows) | (cols <= rows - half)
    s = jnp.where(bad, -jnp.inf, s)
    m = jnp.max(s, axis=-1, keepdims=True)
    p = jnp.exp(s - m)
    denom = jnp.sum(p, axis=-1, keepdims=True)
    o = lax.dot_general(p, vw, (((1,), (0,)), ((), ())),
                        preferred_element_type=jnp.float32)
    o_ref[0] = o / denom


def _attention(q3, k3, v3, half, bq=512):
    NHl, T, HDl = q3.shape
    win = half + bq
    body = functools.partial(_attn_body, half=half, bq=bq, win=win)
    return pl.pallas_call(
        body,
        grid=(NHl, T // bq),
        in_specs=[
            pl.BlockSpec((1, bq, HDl), lambda h, i: (h, i, 0)),
            pl.BlockSpec((1, T, HDl), lambda h, i: (h, 0, 0)),
            pl.BlockSpec((1, T, HDl), lambda h, i: (h, 0, 0)),
        ],
        out_specs=pl.BlockSpec((1, bq, HDl), lambda h, i: (h, i, 0)),
        out_shape=jax.ShapeDtypeStruct((NHl, T, HDl), jnp.float32),
    )(q3, k3, v3)


def _postattn_body(ao_ref, wo_ref, bo_ref, sc_ref, rw_ref, rb_ref,
                   xa_ref, g_ref):
    E = rw_ref.shape[0]
    dn = (((1,), (1,)), ((), ()))
    xa = bo_ref[...] + jnp.zeros((ao_ref.shape[1], wo_ref.shape[2]),
                                 jnp.float32)
    for h in range(ao_ref.shape[0]):
        xa = xa + lax.dot_general(ao_ref[h], wo_ref[h],
                                  (((1,), (0,)), ((), ())),
                                  preferred_element_type=jnp.float32)
    xa_ref[...] = xa
    hn = _rms(xa, sc_ref[...])
    lg = (lax.dot_general(hn, rw_ref[...], dn,
                          preferred_element_type=jnp.float32) + rb_ref[0])
    col = lax.broadcasted_iota(jnp.int32, lg.shape, 1)
    m1 = jnp.max(lg, axis=-1, keepdims=True)
    i1 = jnp.min(jnp.where(lg == m1, col, E), axis=-1, keepdims=True)
    lg2 = jnp.where(col == i1, -jnp.inf, lg)
    m2 = jnp.max(lg2, axis=-1, keepdims=True)
    i2 = jnp.min(jnp.where(lg2 == m2, col, E), axis=-1, keepdims=True)
    keep = (col == i1) | (col == i2)
    sp = jnp.where(keep, lg, -jnp.inf)
    p = jnp.exp(sp - m1)
    g_ref[...] = p / jnp.sum(p, axis=-1, keepdims=True)


def _postattn(ao3, woT3, bo, scale, rw, rb2, blk=256):
    _, T, _ = ao3.shape
    D = woT3.shape[2]
    E = rw.shape[0]
    return pl.pallas_call(
        _postattn_body,
        grid=(T // blk,),
        in_specs=[
            pl.BlockSpec((NH, blk, HD), lambda i: (0, i, 0)),
            pl.BlockSpec((NH, HD, D), lambda i: (0, 0, 0)),
            pl.BlockSpec((D,), lambda i: (0,)),
            pl.BlockSpec((D,), lambda i: (0,)),
            pl.BlockSpec((E, D), lambda i: (0, 0)),
            pl.BlockSpec((1, E), lambda i: (0, 0)),
        ],
        out_specs=[
            pl.BlockSpec((blk, D), lambda i: (i, 0)),
            pl.BlockSpec((blk, E), lambda i: (i, 0)),
        ],
        out_shape=[
            jax.ShapeDtypeStruct((T, D), jnp.float32),
            jax.ShapeDtypeStruct((T, E), jnp.float32),
        ],
    )(ao3, woT3, bo, scale, rw, rb2)


def _moe_body(xa_ref, g_ref, sc_ref, w1_ref, b1_ref, w2_ref, b2_ref, o_ref,
              hn_s):
    e = pl.program_id(0)
    f = pl.program_id(1)
    first = (e == 0) & (f == 0)

    @pl.when(first)
    def _():
        hn_s[...] = _rms(xa_ref[...], sc_ref[...])
        o_ref[...] = xa_ref[...]

    h = lax.dot_general(hn_s[...], w1_ref[0], (((1,), (0,)), ((), ())),
                        preferred_element_type=jnp.float32) + b1_ref[0, 0]
    h = h * jax.nn.sigmoid(h)
    part = lax.dot_general(h, w2_ref[0], (((1,), (0,)), ((), ())),
                           preferred_element_type=jnp.float32)
    g = g_ref[...]
    col = lax.broadcasted_iota(jnp.int32, g.shape, 1)
    ge = jnp.sum(jnp.where(col == e, g, 0.0), axis=-1, keepdims=True)
    contrib = part * ge
    contrib = contrib + jnp.where(f == 0, 1.0, 0.0) * (ge * b2_ref[0, 0])
    o_ref[...] = o_ref[...] + contrib


def _moe(xa, g, scale, W1, b1, W2, b2, bf=1024):
    T, D = xa.shape
    E, _, FF = W1.shape
    return pl.pallas_call(
        _moe_body,
        grid=(E, FF // bf),
        in_specs=[
            pl.BlockSpec((T, D), lambda e, f: (0, 0)),
            pl.BlockSpec((T, E), lambda e, f: (0, 0)),
            pl.BlockSpec((D,), lambda e, f: (0,)),
            pl.BlockSpec((1, D, bf), lambda e, f: (e, 0, f)),
            pl.BlockSpec((1, 1, bf), lambda e, f: (e, 0, f)),
            pl.BlockSpec((1, bf, D), lambda e, f: (e, f, 0)),
            pl.BlockSpec((1, 1, D), lambda e, f: (e, 0, 0)),
        ],
        out_specs=pl.BlockSpec((T, D), lambda e, f: (0, 0)),
        out_shape=jax.ShapeDtypeStruct((T, D), jnp.float32),
        scratch_shapes=[pltpu.VMEM((T, D), jnp.float32)],
    )(xa, g, scale, W1, b1.reshape(E, 1, FF), W2, b2.reshape(E, 1, D))


def _lm_body(x_ref, sc_ref, w_ref, b_ref, o_ref, xn_s):
    @pl.when(pl.program_id(0) == 0)
    def _():
        xn_s[...] = _rms(x_ref[...], sc_ref[...])

    o_ref[...] = (lax.dot_general(xn_s[...], w_ref[...],
                                  (((1,), (1,)), ((), ())),
                                  preferred_element_type=jnp.float32)
                  + b_ref[0])


def _lm_head(x2, scale, lm_w, lm_b2, bv=1024):
    T, D = x2.shape
    Vm = lm_w.shape[0]
    return pl.pallas_call(
        _lm_body,
        grid=(pl.cdiv(Vm, bv),),
        in_specs=[
            pl.BlockSpec((T, D), lambda i: (0, 0)),
            pl.BlockSpec((D,), lambda i: (0,)),
            pl.BlockSpec((bv, D), lambda i: (i, 0)),
            pl.BlockSpec((1, bv), lambda i: (0, i)),
        ],
        out_specs=pl.BlockSpec((T, bv), lambda i: (0, i)),
        out_shape=jax.ShapeDtypeStruct((T, Vm), jnp.float32),
        scratch_shapes=[pltpu.VMEM((T, D), jnp.float32)],
    )(x2, scale, lm_w, lm_b2)


def kernel(idx, emb_table, rms1_scale, in_proj_w, in_proj_b, out_proj_w,
           out_proj_b, router_w, router_b, W1, b1, W2, b2, rms_final_scale,
           lm_w, lm_b):
    B, T = idx.shape
    V, D = emb_table.shape
    half = T // 2

    HH = HD // 2
    theta = 1.0 / (10000.0 ** (jnp.arange(0, HD, 2, dtype=jnp.float32) / HD))
    ang = jnp.arange(T, dtype=jnp.float32)[:, None] * theta[None, :]
    c32 = jnp.cos(ang)
    s32 = jnp.sin(ang)
    c_idx = jnp.arange(D)
    jmap = (c_idx % HD) // 2
    ec = (jnp.arange(HH)[:, None] == jmap[None, :]).astype(jnp.float32)
    sgn = jnp.where(c_idx % 2 == 0, 1.0, -1.0)
    es = ec * sgn[None, :]

    Wq, Wk, Wv = in_proj_w[:D], in_proj_w[D:2 * D], in_proj_w[2 * D:]
    bq, bk, bv_ = in_proj_b[:D], in_proj_b[D:2 * D], in_proj_b[2 * D:]
    swap = jnp.arange(D).reshape(D // 2, 2)[:, ::-1].reshape(D)

    wq3 = Wq.reshape(NH, HD, D)
    wqs3 = Wq[:, swap].reshape(NH, HD, D)
    wk3 = Wk.reshape(NH, HD, D)
    wks3 = Wk[:, swap].reshape(NH, HD, D)
    wv3 = Wv.reshape(NH, HD, D)
    bq3 = bq.reshape(NH, 1, HD)
    bk3 = bk.reshape(NH, 1, HD)
    bv3 = bv_.reshape(NH, 1, HD)
    woT3 = out_proj_w.T.reshape(NH, HD, D)

    x = _emb_gather(emb_table, idx.reshape(T))
    q3, k3, v3 = _qkv(x, rms1_scale, c32, s32, ec, es,
                      wq3, wqs3, wk3, wks3, wv3, bq3, bk3, bv3)
    ao3 = _attention(q3, k3, v3, half)
    xa, g = _postattn(ao3, woT3, out_proj_b, rms1_scale, router_w,
                      router_b.reshape(1, -1))
    x2 = _moe(xa, g, rms1_scale, W1, b1, W2, b2)
    logits = _lm_head(x2, rms_final_scale, lm_w, lm_b.reshape(1, -1))
    return logits.reshape(B, T, V - 1)

# --- scband reference (transcript-rebuilt; emitter-appended) ---
"""Pipeline reference for scband-mixtral-72851235275310 (READ-ONLY COPY).

The authoritative reference and input builder live on the scoring server;
editing this copy changes nothing except your own understanding.
"""

import jax, jax.numpy as jnp
import numpy as np

D = 768; V = 32000; E = 8; NH = 12; HD = 64; T = 2048; B = 1; FF = 3072; TOPK = 2


def setup_inputs(seed: int = 0):
    key = jax.random.key(seed)
    ks = jax.random.split(key, 10)

    def w(k, shape):
        return jax.random.normal(k, shape, dtype=jnp.float32) * 0.02

    inp = {}
    inp["idx"] = jax.random.randint(ks[0], (B, T), 0, V)
    inp["emb_table"] = w(ks[1], (V, D))
    inp["rms1_scale"] = jnp.ones((D,), jnp.float32)
    inp["in_proj_w"] = w(ks[2], (3 * D, D))
    inp["in_proj_b"] = jnp.zeros((3 * D,), jnp.float32)
    inp["out_proj_w"] = w(ks[3], (D, D))
    inp["out_proj_b"] = jnp.zeros((D,), jnp.float32)
    inp["router_w"] = w(ks[4], (E, D))
    inp["router_b"] = jnp.zeros((E,), jnp.float32)
    inp["W1"] = w(ks[5], (E, D, FF))
    inp["b1"] = jnp.zeros((E, FF), jnp.float32)
    inp["W2"] = w(ks[6], (E, FF, D))
    inp["b2"] = jnp.zeros((E, D), jnp.float32)
    inp["rms_final_scale"] = jnp.ones((D,), jnp.float32)
    inp["lm_w"] = w(ks[7], (V - 1, D))
    inp["lm_b"] = jnp.zeros((V - 1,), jnp.float32)
    return inp


def _rms(x, s, eps=1e-6):
    return x * jax.lax.rsqrt(jnp.mean(x * x, axis=-1, keepdims=True) + eps) * s


def _rope(x, base=10000.0):
    b, t, h, hd = x.shape
    half = hd // 2
    theta = 1.0 / (base ** (jnp.arange(0, hd, 2, dtype=jnp.float32) / hd))
    ang = jnp.arange(t, dtype=jnp.float32)[:, None] * theta[None, :]
    cos = jnp.cos(ang)[None, :, None, :]
    sin = jnp.sin(ang)[None, :, None, :]
    xr = x.reshape(b, t, h, half, 2)
    x0 = xr[..., 0]
    x1 = xr[..., 1]
    out = jnp.stack([x0 * cos - x1 * sin, x1 * cos + x0 * sin], axis=-1)
    return out.reshape(b, t, h, hd)


def _forward(idx, emb_table, rms1_scale, in_proj_w, in_proj_b, out_proj_w, out_proj_b,
             router_w, router_b, W1, b1, W2, b2, rms_final_scale, lm_w, lm_b):
    # token embedding lookup (SparseCore gather)
    x = jnp.take(emb_table, idx, axis=0)
    # banded causal mask: disallow col > row OR col <= row - T//2
    ones = jnp.ones((T, T), dtype=bool)
    mask = jnp.logical_or(jnp.triu(ones, 1), jnp.tril(ones, -(T // 2)))
    # pre-attn RMSNorm
    x = _rms(x, rms1_scale)
    q = _rope(x.reshape(B, T, NH, HD)).reshape(B, T, D)
    k = _rope(x.reshape(B, T, NH, HD)).reshape(B, T, D)
    v = x
    Wq, Wk, Wv = in_proj_w[:D], in_proj_w[D:2 * D], in_proj_w[2 * D:]
    bq, bk, bv = in_proj_b[:D], in_proj_b[D:2 * D], in_proj_b[2 * D:]
    qh = (q @ Wq.T + bq).reshape(B, T, NH, HD).transpose(0, 2, 1, 3)
    kh = (k @ Wk.T + bk).reshape(B, T, NH, HD).transpose(0, 2, 1, 3)
    vh = (v @ Wv.T + bv).reshape(B, T, NH, HD).transpose(0, 2, 1, 3)
    scores = jnp.einsum('bhqd,bhkd->bhqk', qh, kh) / jnp.sqrt(jnp.float32(HD))
    scores = jnp.where(mask[None, None], -jnp.inf, scores)
    attn = jax.nn.softmax(scores, axis=-1)
    ao = jnp.einsum('bhqk,bhkd->bhqd', attn, vh).transpose(0, 2, 1, 3).reshape(B, T, D)
    x = ao @ out_proj_w.T + out_proj_b  # note: no residual around attention (faithful to source)
    # MoE FFN with residual
    h = _rms(x, rms1_scale)
    xf = h.reshape(-1, D)
    lg = xf @ router_w.T + router_b
    vals, ind = jax.lax.top_k(lg, TOPK)
    sp = jnp.full_like(lg, -jnp.inf)
    rows = jnp.arange(xf.shape[0])[:, None]
    sp = sp.at[rows, ind].set(vals)
    g = jax.nn.softmax(sp, axis=-1)  # zero weight on non-top-k experts
    hh = jax.nn.silu(jnp.einsum('nd,edf->nef', xf, W1) + b1[None])
    yy = jnp.einsum('nef,efd->ned', hh, W2) + b2[None]
    moe = jnp.einsum('ne,ned->nd', g, yy).reshape(B, T, D)
    x = x + moe
    # final RMSNorm + LM head
    x = _rms(x, rms_final_scale)
    logits = x @ lm_w.T + lm_b
    return logits


def reference(idx, emb_table, rms1_scale, in_proj_w, in_proj_b, out_proj_w, out_proj_b,
              router_w, router_b, W1, b1, W2, b2, rms_final_scale, lm_w, lm_b):
    return _forward(idx, emb_table, rms1_scale, in_proj_w, in_proj_b, out_proj_w, out_proj_b,
                    router_w, router_b, W1, b1, W2, b2, rms_final_scale, lm_w, lm_b)

if __name__ == "__main__":
    import jax
    _d = setup_inputs()
    print(jax.jit(kernel)(*tuple(_d.values())))

</pallas_src>

<mosaic_0001>
#map = affine_map<(d0, d1) -> (0, 0)>
#map1 = affine_map<(d0, d1) -> (0)>
module attributes {stable_mosaic.version = 14 : i64} {
  func.func @gk(%arg0: i32, %arg1: i32, %arg2: memref<32000x768xf32, #tpu.memory_space<hbm>>, %arg3: memref<2048xi32, #tpu.memory_space<hbm>>, %arg4: memref<2048x768xf32, #tpu.memory_space<hbm>>, %arg5: memref<64xi32, #tpu.memory_space<vmem>>, %arg6: memref<64x768xf32, #tpu.memory_space<vmem>>, %arg7: memref<!tpu.dma_semaphore, #tpu.memory_space<semaphore_mem>>) attributes {dimension_semantics = [#tpu.dimension_semantics<core_parallel>, #tpu.dimension_semantics<subcore_parallel>], iteration_bounds = array<i64: 2, 16>, scalar_prefetch = 0 : i64, scratch_operands = 3 : i64, tpu.core_type = #tpu.core_type<sc_vector_subcore>, window_params = [{transform_indices = #map}, {transform_indices = #map1}, {transform_indices = #map}]} {
    %mul3A = arith.constant 2 : i32
    %mul3A_0 = arith.muli %arg1, %mul3A : i32
    %add3A = arith.addi %mul3A_0, %arg0 : i32
    %mul3A_1 = arith.constant 64 : i32
    %mul3A_2 = arith.muli %add3A, %mul3A_1 : i32
    "tpu.region"() ({
      %run_scoped3A = tpu.sem_alloc : memref<!tpu.dma_semaphore, #tpu.memory_space<semaphore_mem>>
      %dma_start3A_7 = tpu.memref_slice %arg3[%mul3A_2] : memref<2048xi32, #tpu.memory_space<hbm>> -> memref<64xi32, #tpu.memory_space<hbm>>
      %dma_start3A_8 = tpu.memref_slice %arg3[%mul3A_2] : memref<2048xi32, #tpu.memory_space<hbm>> -> memref<64xi32, #tpu.memory_space<hbm>>
      tpu.enqueue_dma source(%dma_start3A_8 : memref<64xi32, #tpu.memory_space<hbm>>) target(%arg5 : memref<64xi32, #tpu.memory_space<vmem>>) target_semaphore(%run_scoped3A : memref<!tpu.dma_semaphore, #tpu.memory_space<semaphore_mem>>)
      %dma_wait3A_9 = tpu.memref_slice %arg3[%mul3A_2] : memref<2048xi32, #tpu.memory_space<hbm>> -> memref<64xi32, #tpu.memory_space<hbm>>
      %dma_wait3A_10 = tpu.memref_slice %arg3[%mul3A_2] : memref<2048xi32, #tpu.memory_space<hbm>> -> memref<64xi32, #tpu.memory_space<hbm>>
      tpu.wait_dma2 semaphore(%run_scoped3A : memref<!tpu.dma_semaphore, #tpu.memory_space<semaphore_mem>>) src(%dma_wait3A_10 : memref<64xi32, #tpu.memory_space<hbm>>) dst(%arg5 : memref<64xi32, #tpu.memory_space<vmem>>)
      tpu.yield
    }) : () -> ()
    %dma_start3A = arith.constant 0 : i32
    %dma_start3A_3 = arith.constant 0 : i32
    %dma_start3A_4 = tpu.memref_slice %arg2[%dma_start3A, %dma_start3A_3] : memref<32000x768xf32, #tpu.memory_space<hbm>> -> memref<32000x768xf32, #tpu.memory_space<hbm>>
    tpu.enqueue_indirect_dma source(%dma_start3A_4 : memref<32000x768xf32, #tpu.memory_space<hbm>>) target(%arg6 : memref<64x768xf32, #tpu.memory_space<vmem>>) offsets(%arg5 : memref<64xi32, #tpu.memory_space<vmem>>) semaphore(%arg7 : memref<!tpu.dma_semaphore, #tpu.memory_space<semaphore_mem>>)
    %dma_wait3A = arith.constant 0 : i32
    %dma_wait3A_5 = arith.constant 0 : i32
    %dma_wait3A_6 = tpu.memref_slice %arg2[%dma_wait3A, %dma_wait3A_5] : memref<32000x768xf32, #tpu.memory_space<hbm>> -> memref<32000x768xf32, #tpu.memory_space<hbm>>
    tpu.wait_indirect_dma semaphore(%arg7 : memref<!tpu.dma_semaphore, #tpu.memory_space<semaphore_mem>>) src(%dma_wait3A_6 : memref<32000x768xf32, #tpu.memory_space<hbm>>) dst(%arg6 : memref<64x768xf32, #tpu.memory_space<vmem>>)
    "tpu.region"() ({
      %run_scoped3A = tpu.sem_alloc : memref<!tpu.dma_semaphore, #tpu.memory_space<semaphore_mem>>
      %dma_start3A_7 = arith.constant 0 : i32
      %dma_start3A_8 = tpu.memref_slice %arg4[%mul3A_2, %dma_start3A_7] : memref<2048x768xf32, #tpu.memory_space<hbm>> -> memref<64x768xf32, #tpu.memory_space<hbm>>
      %dma_start3A_9 = arith.constant 0 : i32
      %dma_start3A_10 = tpu.memref_slice %arg4[%mul3A_2, %dma_start3A_9] : memref<2048x768xf32, #tpu.memory_space<hbm>> -> memref<64x768xf32, #tpu.memory_space<hbm>>
      tpu.enqueue_dma source(%arg6 : memref<64x768xf32, #tpu.memory_space<vmem>>) target(%dma_start3A_10 : memref<64x768xf32, #tpu.memory_space<hbm>>) target_semaphore(%run_scoped3A : memref<!tpu.dma_semaphore, #tpu.memory_space<semaphore_mem>>)
      %dma_wait3A_11 = arith.constant 0 : i32
      %dma_wait3A_12 = tpu.memref_slice %arg4[%mul3A_2, %dma_wait3A_11] : memref<2048x768xf32, #tpu.memory_space<hbm>> -> memref<64x768xf32, #tpu.memory_space<hbm>>
      %dma_wait3A_13 = arith.constant 0 : i32
      %dma_wait3A_14 = tpu.memref_slice %arg4[%mul3A_2, %dma_wait3A_13] : memref<2048x768xf32, #tpu.memory_space<hbm>> -> memref<64x768xf32, #tpu.memory_space<hbm>>
      tpu.wait_dma2 semaphore(%run_scoped3A : memref<!tpu.dma_semaphore, #tpu.memory_space<semaphore_mem>>) src(%arg6 : memref<64x768xf32, #tpu.memory_space<vmem>>) dst(%dma_wait3A_14 : memref<64x768xf32, #tpu.memory_space<hbm>>)
      tpu.yield
    }) : () -> ()
    return
  }
}

module attributes {stable_mosaic.version = 14 : i64} {
  func.func @_qkv_body(%arg0: i32, %arg1: i32, %arg2: memref<512x768xf32, #tpu.memory_space<vmem>>, %arg3: memref<768xf32, #tpu.memory_space<vmem>>, %arg4: memref<512x32xf32, #tpu.memory_space<vmem>>, %arg5: memref<512x32xf32, #tpu.memory_space<vmem>>, %arg6: memref<32x768xf32, #tpu.memory_space<vmem>>, %arg7: memref<32x768xf32, #tpu.memory_space<vmem>>, %arg8: memref<1x64x768xf32, #tpu.memory_space<vmem>>, %arg9: memref<1x64x768xf32, #tpu.memory_space<vmem>>, %arg10: memref<1x64x768xf32, #tpu.memory_space<vmem>>, %arg11: memref<1x64x768xf32, #tpu.memory_space<vmem>>, %arg12: memref<1x64x768xf32, #tpu.memory_space<vmem>>, %arg13: memref<1x1x64xf32, #tpu.memory_space<vmem>>, %arg14: memref<1x1x64xf32, #tpu.memory_space<vmem>>, %arg15: memref<1x1x64xf32, #tpu.memory_space<vmem>>, %arg16: memref<1x512x64xf32, #tpu.memory_space<vmem>>, %arg17: memref<1x512x64xf32, #tpu.memory_space<vmem>>, %arg18: memref<1x512x64xf32, #tpu.memory_space<vmem>>, %arg19: memref<512x768xf32, #tpu.memory_space<vmem>>, %arg20: memref<512x768xf32, #tpu.memory_space<vmem>>) attributes {dimension_semantics = [#tpu.dimension_semantics<arbitrary>, #tpu.dimension_semantics<arbitrary>], iteration_bounds = array<i64: 4, 12>, scalar_prefetch = 0 : i64, scratch_operands = 2 : i64, tpu.core_type = #tpu.core_type<tc>, window_params = [{transform_indices = @transform_0, window_bounds = array<i64: 512, 768>}, {pipeline_mode = #tpu.pipeline_mode<synchronous>, transform_indices = @transform_1, window_bounds = array<i64: 768>}, {transform_indices = @transform_2, window_bounds = array<i64: 512, 32>}, {transform_indices = @transform_3, window_bounds = array<i64: 512, 32>}, {pipeline_mode = #tpu.pipeline_mode<synchronous>, transform_indices = @transform_4, window_bounds = array<i64: 32, 768>}, {pipeline_mode = #tpu.pipeline_mode<synchronous>, transform_indices = @transform_5, window_bounds = array<i64: 32, 768>}, {transform_indices = @transform_6, window_bounds = array<i64: 1, 64, 768>}, {transform_indices = @transform_7, window_bounds = array<i64: 1, 64, 768>}, {transform_indices = @transform_8, window_bounds = array<i64: 1, 64, 768>}, {transform_indices = @transform_9, window_bounds = array<i64: 1, 64, 768>}, {transform_indices = @transform_10, window_bounds = array<i64: 1, 64, 768>}, {transform_indices = @transform_11, window_bounds = array<i64: 1, 1, 64>}, {transform_indices = @transform_12, window_bounds = array<i64: 1, 1, 64>}, {transform_indices = @transform_13, window_bounds = array<i64: 1, 1, 64>}, {transform_indices = @transform_14, window_bounds = array<i64: 1, 512, 64>}, {transform_indices = @transform_15, window_bounds = array<i64: 1, 512, 64>}, {transform_indices = @transform_16, window_bounds = array<i64: 1, 512, 64>}]} {
    %eq3A = arith.constant 0 : i32
    %eq3A_0 = arith.cmpi eq, %arg1, %eq3A : i32
    %convert_element_type3A = arith.extui %eq3A_0 : i1 to i32
    %cond3A = arith.constant 0 : i32
    %cond3A_1 = arith.cmpi ne, %convert_element_type3A, %cond3A : i32
    scf.if %cond3A_1 {
      %get3A_98 = arith.constant 0 : index
      %get3A_99 = arith.constant 0 : index
      %get3A_100 = vector.load %arg4[%get3A_98, %get3A_99] : memref<512x32xf32, #tpu.memory_space<vmem>>, vector<512x32xf32>
      %get3A_101 = arith.constant 0 : index
      %get3A_102 = arith.constant 0 : index
      %get3A_103 = vector.load %arg6[%get3A_101, %get3A_102] : memref<32x768xf32, #tpu.memory_space<vmem>>, vector<32x768xf32>
      %dot_general3A_104 = arith.constant dense<0.000000e+00> : vector<512x768xf32>
      %dot_general3A_105 = tpu.matmul %get3A_100, %get3A_103, %dot_general3A_104 {dimension_numbers = #tpu.dot_dimension_numbers<[1], [0], [0], [1], [0, 0, 1, 1], [], []>, transpose_lhs_hint = false} : vector<512x32xf32>, vector<32x768xf32>, vector<512x768xf32> -> vector<512x768xf32>
      %swap3A_106 = arith.constant 0 : index
      %swap3A_107 = arith.constant 0 : index
      %swap3A_108 = vector.load %arg19[%swap3A_106, %swap3A_107] : memref<512x768xf32, #tpu.memory_space<vmem>>, vector<512x768xf32>
      tpu.vector_store %arg19[%swap3A_106, %swap3A_107], %dot_general3A_105 {strides = array<i32>} : memref<512x768xf32, #tpu.memory_space<vmem>>, vector<512x768xf32>,
      %get3A_109 = arith.constant 0 : index
      %get3A_110 = arith.constant 0 : index
      %get3A_111 = vector.load %arg5[%get3A_109, %get3A_110] : memref<512x32xf32, #tpu.memory_space<vmem>>, vector<512x32xf32>
      %get3A_112 = arith.constant 0 : index
      %get3A_113 = arith.constant 0 : index
      %get3A_114 = vector.load %arg7[%get3A_112, %get3A_113] : memref<32x768xf32, #tpu.memory_space<vmem>>, vector<32x768xf32>
      %dot_general3A_115 = arith.constant dense<0.000000e+00> : vector<512x768xf32>
      %dot_general3A_116 = tpu.matmul %get3A_111, %get3A_114, %dot_general3A_115 {dimension_numbers = #tpu.dot_dimension_numbers<[1], [0], [0], [1], [0, 0, 1, 1], [], []>, transpose_lhs_hint = false} : vector<512x32xf32>, vector<32x768xf32>, vector<512x768xf32> -> vector<512x768xf32>
      %swap3A_117 = arith.constant 0 : index
      %swap3A_118 = arith.constant 0 : index
      %swap3A_119 = vector.load %arg20[%swap3A_117, %swap3A_118] : memref<512x768xf32, #tpu.memory_space<vmem>>, vector<512x768xf32>
      tpu.vector_store %arg20[%swap3A_117, %swap3A_118], %dot_general3A_116 {strides = array<i32>} : memref<512x768xf32, #tpu.memory_space<vmem>>, vector<512x768xf32>,
    } else {
    }
    %get3A = arith.constant 0 : index
    %get3A_2 = arith.constant 0 : index
    %get3A_3 = vector.load %arg2[%get3A, %get3A_2] : memref<512x768xf32, #tpu.memory_space<vmem>>, vector<512x768xf32>
    %get3A_4 = arith.constant 0 : index
    %get3A_5 = vector.load %arg3[%get3A_4] : memref<768xf32, #tpu.memory_space<vmem>>, vector<768xf32>
    %mul3A = arith.mulf %get3A_3, %get3A_3 : vector<512x768xf32>
    %reduce_sum3A = arith.constant dense<0.000000e+00> : vector<512xf32>
    %reduce_sum3A_6 = vector.multi_reduction <add>, %mul3A, %reduce_sum3A [1] : vector<512x768xf32> to vector<512xf32>
    %broadcast_in_dim3A = vector.shape_cast %reduce_sum3A_6 : vector<512xf32> to vector<512x1xf32>
    %div3A = arith.constant 7.680000e+02 : f32
    %div3A_7 = vector.broadcast %div3A : f32 to vector<512x1xf32>
    %div3A_8 = arith.divf %broadcast_in_dim3A, %div3A_7 : vector<512x1xf32>
    %add3A = arith.constant 9.99999997E-7 : f32
    %add3A_9 = vector.broadcast %add3A : f32 to vector<512x1xf32>
    %add3A_10 = arith.addf %div3A_8, %add3A_9 : vector<512x1xf32>
    %rsqrt3A = math.rsqrt %add3A_10 : vector<512x1xf32>
    %mul3A_11 = vector.broadcast %rsqrt3A : vector<512x1xf32> to vector<512x768xf32>
    %mul3A_12 = arith.mulf %get3A_3, %mul3A_11 : vector<512x768xf32>
    %broadcast_in_dim3A_13 = vector.shape_cast %get3A_5 : vector<768xf32> to vector<1x768xf32>
    %mul3A_14 = vector.broadcast %broadcast_in_dim3A_13 : vector<1x768xf32> to vector<512x768xf32>
    %mul3A_15 = arith.mulf %mul3A_12, %mul3A_14 : vector<512x768xf32>
    %get3A_16 = arith.constant 0 : index
    %get3A_17 = arith.constant 0 : index
    %get3A_18 = vector.load %arg19[%get3A_16, %get3A_17] : memref<512x768xf32, #tpu.memory_space<vmem>>, vector<512x768xf32>
    %mul3A_19 = arith.mulf %mul3A_15, %get3A_18 : vector<512x768xf32>
    %get3A_20 = arith.constant 0 : index
    %get3A_21 = arith.constant 0 : index
    %get3A_22 = vector.load %arg20[%get3A_20, %get3A_21] : memref<512x768xf32, #tpu.memory_space<vmem>>, vector<512x768xf32>
    %mul3A_23 = arith.mulf %mul3A_15, %get3A_22 : vector<512x768xf32>
    %get3A_24 = arith.constant 0 : index
    %get3A_25 = arith.constant 0 : index
    %get3A_26 = arith.constant 0 : index
    %get3A_27 = vector.load %arg8[%get3A_24, %get3A_25, %get3A_26] : memref<1x64x768xf32, #tpu.memory_space<vmem>>, vector<1x64x768xf32>
    %get3A_28 = vector.shape_cast %get3A_27 : vector<1x64x768xf32> to vector<64x768xf32>
    %dot_general3A = arith.constant dense<0.000000e+00> : vector<512x64xf32>
    %dot_general3A_29 = tpu.matmul %mul3A_19, %get3A_28, %dot_general3A {dimension_numbers = #tpu.dot_dimension_numbers<[1], [1], [0], [0], [0, 0, 1, 0], [], []>, transpose_lhs_hint = false} : vector<512x768xf32>, vector<64x768xf32>, vector<512x64xf32> -> vector<512x64xf32>
    %get3A_30 = arith.constant 0 : index
    %get3A_31 = arith.constant 0 : index
    %get3A_32 = arith.constant 0 : index
    %get3A_33 = vector.load %arg9[%get3A_30, %get3A_31, %get3A_32] : memref<1x64x768xf32, #tpu.memory_space<vmem>>, vector<1x64x768xf32>
    %get3A_34 = vector.shape_cast %get3A_33 : vector<1x64x768xf32> to vector<64x768xf32>
    %dot_general3A_35 = arith.constant dense<0.000000e+00> : vector<512x64xf32>
    %dot_general3A_36 = tpu.matmul %mul3A_23, %get3A_34, %dot_general3A_35 {dimension_numbers = #tpu.dot_dimension_numbers<[1], [1], [0], [0], [0, 0, 1, 0], [], []>, transpose_lhs_hint = false} : vector<512x768xf32>, vector<64x768xf32>, vector<512x64xf32> -> vector<512x64xf32>
    %add3A_37 = arith.addf %dot_general3A_29, %dot_general3A_36 : vector<512x64xf32>
    %get3A_38 = arith.constant 0 : index
    %get3A_39 = arith.constant 0 : index
    %get3A_40 = arith.constant 0 : index
    %get3A_41 = vector.load %arg13[%get3A_38, %get3A_39, %get3A_40] : memref<1x1x64xf32, #tpu.memory_space<vmem>>, vector<1x1x64xf32>
    %get3A_42 = vector.shape_cast %get3A_41 : vector<1x1x64xf32> to vector<1x64xf32>
    %add3A_43 = vector.broadcast %get3A_42 : vector<1x64xf32> to vector<512x64xf32>
    %add3A_44 = arith.addf %add3A_37, %add3A_43 : vector<512x64xf32>
    %swap3A = arith.constant 0 : index
    %swap3A_45 = arith.constant 0 : index
    %swap3A_46 = arith.constant 0 : index
    %swap3A_47 = vector.load %arg16[%swap3A, %swap3A_45, %swap3A_46] : memref<1x512x64xf32, #tpu.memory_space<vmem>>, vector<1x512x64xf32>
    %swap3A_48 = vector.shape_cast %swap3A_47 : vector<1x512x64xf32> to vector<512x64xf32>
    %swap3A_49 = vector.shape_cast %add3A_44 : vector<512x64xf32> to vector<1x512x64xf32>
    tpu.vector_store %arg16[%swap3A, %swap3A_45, %swap3A_46], %swap3A_49 {strides = array<i32>} : memref<1x512x64xf32, #tpu.memory_space<vmem>>, vector<1x512x64xf32>,
    %get3A_50 = arith.constant 0 : index
    %get3A_51 = arith.constant 0 : index
    %get3A_52 = arith.constant 0 : index
    %get3A_53 = vector.load %arg10[%get3A_50, %get3A_51, %get3A_52] : memref<1x64x768xf32, #tpu.memory_space<vmem>>, vector<1x64x768xf32>
    %get3A_54 = vector.shape_cast %get3A_53 : vector<1x64x768xf32> to vector<64x768xf32>
    %dot_general3A_55 = arith.constant dense<0.000000e+00> : vector<512x64xf32>
    %dot_general3A_56 = tpu.matmul %mul3A_19, %get3A_54, %dot_general3A_55 {dimension_numbers = #tpu.dot_dimension_numbers<[1], [1], [0], [0], [0, 0, 1, 0], [], []>, transpose_lhs_hint = false} : vector<512x768xf32>, vector<64x768xf32>, vector<512x64xf32> -> vector<512x64xf32>
    %get3A_57 = arith.constant 0 : index
    %get3A_58 = arith.constant 0 : index
    %get3A_59 = arith.constant 0 : index
    %get3A_60 = vector.load %arg11[%get3A_57, %get3A_58, %get3A_59] : memref<1x64x768xf32, #tpu.memory_space<vmem>>, vector<1x64x768xf32>
    %get3A_61 = vector.shape_cast %get3A_60 : vector<1x64x768xf32> to vector<64x768xf32>
    %dot_general3A_62 = arith.constant dense<0.000000e+00> : vector<512x64xf32>
    %dot_general3A_63 = tpu.matmul %mul3A_23, %get3A_61, %dot_general3A_62 {dimension_numbers = #tpu.dot_dimension_numbers<[1], [1], [0], [0], [0, 0, 1, 0], [], []>, transpose_lhs_hint = false} : vector<512x768xf32>, vector<64x768xf32>, vector<512x64xf32> -> vector<512x64xf32>
    %add3A_64 = arith.addf %dot_general3A_56, %dot_general3A_63 : vector<512x64xf32>
    %get3A_65 = arith.constant 0 : index
    %get3A_66 = arith.constant 0 : index
    %get3A_67 = arith.constant 0 : index
    %get3A_68 = vector.load %arg14[%get3A_65, %get3A_66, %get3A_67] : memref<1x1x64xf32, #tpu.memory_space<vmem>>, vector<1x1x64xf32>
    %get3A_69 = vector.shape_cast %get3A_68 : vector<1x1x64xf32> to vector<1x64xf32>
    %add3A_70 = vector.broadcast %get3A_69 : vector<1x64xf32> to vector<512x64xf32>
    %add3A_71 = arith.addf %add3A_64, %add3A_70 : vector<512x64xf32>
    %swap3A_72 = arith.constant 0 : index
    %swap3A_73 = arith.constant 0 : index
    %swap3A_74 = arith.constant 0 : index
    %swap3A_75 = vector.load %arg17[%swap3A_72, %swap3A_73, %swap3A_74] : memref<1x512x64xf32, #tpu.memory_space<vmem>>, vector<1x512x64xf32>
    %swap3A_76 = vector.shape_cast %swap3A_75 : vector<1x512x64xf32> to vector<512x64xf32>
    %swap3A_77 = vector.shape_cast %add3A_71 : vector<512x64xf32> to vector<1x512x64xf32>
    tpu.vector_store %arg17[%swap3A_72, %swap3A_73, %swap3A_74], %swap3A_77 {strides = array<i32>} : memref<1x512x64xf32, #tpu.memory_space<vmem>>, vector<1x512x64xf32>,
    %get3A_78 = arith.constant 0 : index
    %get3A_79 = arith.constant 0 : index
    %get3A_80 = arith.constant 0 : index
    %get3A_81 = vector.load %arg12[%get3A_78, %get3A_79, %get3A_80] : memref<1x64x768xf32, #tpu.memory_space<vmem>>, vector<1x64x768xf32>
    %get3A_82 = vector.shape_cast %get3A_81 : vector<1x64x768xf32> to vector<64x768xf32>
    %dot_general3A_83 = arith.constant dense<0.000000e+00> : vector<512x64xf32>
    %dot_general3A_84 = tpu.matmul %mul3A_15, %get3A_82, %dot_general3A_83 {dimension_numbers = #tpu.dot_dimension_numbers<[1], [1], [0], [0], [0, 0, 1, 0], [], []>, transpose_lhs_hint = false} : vector<512x768xf32>, vector<64x768xf32>, vector<512x64xf32> -> vector<512x64xf32>
    %get3A_85 = arith.constant 0 : index
    %get3A_86 = arith.constant 0 : index
    %get3A_87 = arith.constant 0 : index
    %get3A_88 = vector.load %arg15[%get3A_85, %get3A_86, %get3A_87] : memref<1x1x64xf32, #tpu.memory_space<vmem>>, vector<1x1x64xf32>
    %get3A_89 = vector.shape_cast %get3A_88 : vector<1x1x64xf32> to vector<1x64xf32>
    %add3A_90 = vector.broadcast %get3A_89 : vector<1x64xf32> to vector<512x64xf32>
    %add3A_91 = arith.addf %dot_general3A_84, %add3A_90 : vector<512x64xf32>
    %swap3A_92 = arith.constant 0 : index
    %swap3A_93 = arith.constant 0 : index
    %swap3A_94 = arith.constant 0 : index
    %swap3A_95 = vector.load %arg18[%swap3A_92, %swap3A_93, %swap3A_94] : memref<1x512x64xf32, #tpu.memory_space<vmem>>, vector<1x512x64xf32>
    %swap3A_96 = vector.shape_cast %swap3A_95 : vector<1x512x64xf32> to vector<512x64xf32>
    %swap3A_97 = vector.shape_cast %add3A_91 : vector<512x64xf32> to vector<1x512x64xf32>
    tpu.vector_store %arg18[%swap3A_92, %swap3A_93, %swap3A_94], %swap3A_97 {strides = array<i32>} : memref<1x512x64xf32, #tpu.memory_space<vmem>>, vector<1x512x64xf32>,
    return
  }
  func.func @transform_0(%arg0: i32, %arg1: i32) -> (i32, i32) {
    %c0_i32 = arith.constant 0 : i32
    %c0_i32_0 = arith.constant 0 : i32
    return %arg0, %c0_i32 : i32, i32
  }
  func.func @transform_1(%arg0: i32, %arg1: i32) -> i32 {
    %c0_i32 = arith.constant 0 : i32
    %c0_i32_0 = arith.constant 0 : i32
    return %c0_i32 : i32
  }
  func.func @transform_2(%arg0: i32, %arg1: i32) -> (i32, i32) {
    %c0_i32 = arith.constant 0 : i32
    %c0_i32_0 = arith.constant 0 : i32
    return %arg0, %c0_i32 : i32, i32
  }
  func.func @transform_3(%arg0: i32, %arg1: i32) -> (i32, i32) {
    %c0_i32 = arith.constant 0 : i32
    %c0_i32_0 = arith.constant 0 : i32
    return %arg0, %c0_i32 : i32, i32
  }
  func.func @transform_4(%arg0: i32, %arg1: i32) -> (i32, i32) {
    %c0_i32 = arith.constant 0 : i32
    %c0_i32_0 = arith.constant 0 : i32
    %c0_i32_1 = arith.constant 0 : i32
    return %c0_i32, %c0_i32_0 : i32, i32
  }
  func.func @transform_5(%arg0: i32, %arg1: i32) -> (i32, i32) {
    %c0_i32 = arith.constant 0 : i32
    %c0_i32_0 = arith.constant 0 : i32
    %c0_i32_1 = arith.constant 0 : i32
    return %c0_i32, %c0_i32_0 : i32, i32
  }
  func.func @transform_6(%arg0: i32, %arg1: i32) -> (i32, i32, i32) {
    %c0_i32 = arith.constant 0 : i32
    %c0_i32_0 = arith.constant 0 : i32
    %c0_i32_1 = arith.constant 0 : i32
    return %arg1, %c0_i32, %c0_i32_0 : i32, i32, i32
  }
  func.func @transform_7(%arg0: i32, %arg1: i32) -> (i32, i32, i32) {
    %c0_i32 = arith.constant 0 : i32
    %c0_i32_0 = arith.constant 0 : i32
    %c0_i32_1 = arith.constant 0 : i32
    return %arg1, %c0_i32, %c0_i32_0 : i32, i32, i32
  }
  func.func @transform_8(%arg0: i32, %arg1: i32) -> (i32, i32, i32) {
    %c0_i32 = arith.constant 0 : i32
    %c0_i32_0 = arith.constant 0 : i32
    %c0_i32_1 = arith.constant 0 : i32
    return %arg1, %c0_i32, %c0_i32_0 : i32, i32, i32
  }
  func.func @transform_9(%arg0: i32, %arg1: i32) -> (i32, i32, i32) {
    %c0_i32 = arith.constant 0 : i32
    %c0_i32_0 = arith.constant 0 : i32
    %c0_i32_1 = arith.constant 0 : i32
    return %arg1, %c0_i32, %c0_i32_0 : i32, i32, i32
  }
  func.func @transform_10(%arg0: i32, %arg1: i32) -> (i32, i32, i32) {
    %c0_i32 = arith.constant 0 : i32
    %c0_i32_0 = arith.constant 0 : i32
    %c0_i32_1 = arith.constant 0 : i32
    return %arg1, %c0_i32, %c0_i32_0 : i32, i32, i32
  }
  func.func @transform_11(%arg0: i32, %arg1: i32) -> (i32, i32, i32) {
    %c0_i32 = arith.constant 0 : i32
    %c0_i32_0 = arith.constant 0 : i32
    %c0_i32_1 = arith.constant 0 : i32
    return %arg1, %c0_i32, %c0_i32_0 : i32, i32, i32
  }
  func.func @transform_12(%arg0: i32, %arg1: i32) -> (i32, i32, i32) {
    %c0_i32 = arith.constant 0 : i32
    %c0_i32_0 = arith.constant 0 : i32
    %c0_i32_1 = arith.constant 0 : i32
    return %arg1, %c0_i32, %c0_i32_0 : i32, i32, i32
  }
  func.func @transform_13(%arg0: i32, %arg1: i32) -> (i32, i32, i32) {
    %c0_i32 = arith.constant 0 : i32
    %c0_i32_0 = arith.constant 0 : i32
    %c0_i32_1 = arith.constant 0 : i32
    return %arg1, %c0_i32, %c0_i32_0 : i32, i32, i32
  }
  func.func @transform_14(%arg0: i32, %arg1: i32) -> (i32, i32, i32) {
    %c0_i32 = arith.constant 0 : i32
    %c0_i32_0 = arith.constant 0 : i32
    return %arg1, %arg0, %c0_i32 : i32, i32, i32
  }
  func.func @transform_15(%arg0: i32, %arg1: i32) -> (i32, i32, i32) {
    %c0_i32 = arith.constant 0 : i32
    %c0_i32_0 = arith.constant 0 : i32
    return %arg1, %arg0, %c0_i32 : i32, i32, i32
  }
  func.func @transform_16(%arg0: i32, %arg1: i32) -> (i32, i32, i32) {
    %c0_i32 = arith.constant 0 : i32
    %c0_i32_0 = arith.constant 0 : i32
    return %arg1, %arg0, %c0_i32 : i32, i32, i32
  }
}

module attributes {stable_mosaic.version = 14 : i64} {
  func.func @_attn_body(%arg0: i32, %arg1: i32, %arg2: memref<1x512x64xf32, #tpu.memory_space<vmem>>, %arg3: memref<1x2048x64xf32, #tpu.memory_space<vmem>>, %arg4: memref<1x2048x64xf32, #tpu.memory_space<vmem>>, %arg5: memref<1x512x64xf32, #tpu.memory_space<vmem>>) attributes {dimension_semantics = [#tpu.dimension_semantics<arbitrary>, #tpu.dimension_semantics<arbitrary>], iteration_bounds = array<i64: 12, 4>, scalar_prefetch = 0 : i64, scratch_operands = 0 : i64, tpu.core_type = #tpu.core_type<tc>, window_params = [{transform_indices = @transform_0, window_bounds = array<i64: 1, 512, 64>}, {transform_indices = @transform_1, window_bounds = array<i64: 1, 2048, 64>}, {transform_indices = @transform_2, window_bounds = array<i64: 1, 2048, 64>}, {transform_indices = @transform_3, window_bounds = array<i64: 1, 512, 64>}]} {
    %get3A = arith.constant 0 : index
    %get3A_0 = arith.constant 0 : index
    %get3A_1 = arith.constant 0 : index
    %get3A_2 = vector.load %arg2[%get3A, %get3A_0, %get3A_1] : memref<1x512x64xf32, #tpu.memory_space<vmem>>, vector<1x512x64xf32>
    %get3A_3 = vector.shape_cast %get3A_2 : vector<1x512x64xf32> to vector<512x64xf32>
    %sub3A = arith.constant 2 : i32
    %sub3A_4 = arith.subi %arg1, %sub3A : i32
    %max3A = arith.constant 0 : i32
    %max3A_5 = arith.maxsi %sub3A_4, %max3A : i32
    %mul3A = arith.constant 512 : i32
    %mul3A_6 = arith.muli %max3A_5, %mul3A : i32
    %get3A_7 = arith.constant 0 : index
    %get3A_8 = arith.index_cast %mul3A_6 : i32 to index
    %get3A_9 = arith.constant 0 : index
    %get3A_10 = vector.load %arg3[%get3A_7, %get3A_8, %get3A_9] : memref<1x2048x64xf32, #tpu.memory_space<vmem>>, vector<1x1536x64xf32>
    %get3A_11 = vector.shape_cast %get3A_10 : vector<1x1536x64xf32> to vector<1536x64xf32>
    %get3A_12 = arith.constant 0 : index
    %get3A_13 = arith.index_cast %mul3A_6 : i32 to index
    %get3A_14 = arith.constant 0 : index
    %get3A_15 = vector.load %arg4[%get3A_12, %get3A_13, %get3A_14] : memref<1x2048x64xf32, #tpu.memory_space<vmem>>, vector<1x1536x64xf32>
    %get3A_16 = vector.shape_cast %get3A_15 : vector<1x1536x64xf32> to vector<1536x64xf32>
    %dot_general3A = arith.constant dense<0.000000e+00> : vector<512x1536xf32>
    %dot_general3A_17 = tpu.matmul %get3A_3, %get3A_11, %dot_general3A {dimension_numbers = #tpu.dot_dimension_numbers<[1], [1], [0], [0], [0, 0, 1, 0], [], []>, transpose_lhs_hint = false} : vector<512x64xf32>, vector<1536x64xf32>, vector<512x1536xf32> -> vector<512x1536xf32>
    %mul3A_18 = arith.constant 1.250000e-01 : f32
    %mul3A_19 = vector.broadcast %mul3A_18 : f32 to vector<512x1536xf32>
    %mul3A_20 = arith.mulf %dot_general3A_17, %mul3A_19 : vector<512x1536xf32>
    %mul3A_21 = arith.constant 512 : i32
    %mul3A_22 = arith.muli %arg1, %mul3A_21 : i32
    %iota3A = tpu.iota {dimensions = array<i32: 0>} : vector<512x1536xi32>
    %add3A = vector.broadcast %mul3A_22 : i32 to vector<512x1536xi32>
    %add3A_23 = arith.addi %add3A, %iota3A : vector<512x1536xi32>
    %iota3A_24 = tpu.iota {dimensions = array<i32: 1>} : vector<512x1536xi32>
    %add3A_25 = vector.broadcast %mul3A_6 : i32 to vector<512x1536xi32>
    %add3A_26 = arith.addi %add3A_25, %iota3A_24 : vector<512x1536xi32>
    %gt3A = arith.cmpi sgt, %add3A_26, %add3A_23 : vector<512x1536xi32>
    %sub3A_27 = arith.constant 1024 : i32
    %sub3A_28 = vector.broadcast %sub3A_27 : i32 to vector<512x1536xi32>
    %sub3A_29 = arith.subi %add3A_23, %sub3A_28 : vector<512x1536xi32>
    %le3A = arith.cmpi sle, %add3A_26, %sub3A_29 : vector<512x1536xi32>
    %or3A = arith.ori %gt3A, %le3A : vector<512x1536xi1>
    %jit3A = arith.constant 0xFF800000 : f32
    %broadcast_in_dim3A = vector.broadcast %jit3A : f32 to vector<512x1536xf32>
    %select_n3A = arith.select %or3A, %broadcast_in_dim3A, %mul3A_20 : vector<512x1536xi1>, vector<512x1536xf32>
    %reduce_max3A = arith.constant dense<0xFF800000> : vector<512xf32>
    %reduce_max3A_30 = vector.multi_reduction <maximumf>, %select_n3A, %reduce_max3A [1] : vector<512x1536xf32> to vector<512xf32>
    %broadcast_in_dim3A_31 = vector.shape_cast %reduce_max3A_30 : vector<512xf32> to vector<512x1xf32>
    %sub3A_32 = vector.broadcast %broadcast_in_dim3A_31 : vector<512x1xf32> to vector<512x1536xf32>
    %sub3A_33 = arith.subf %select_n3A, %sub3A_32 : vector<512x1536xf32>
    %exp3A = math.exp %sub3A_33 : vector<512x1536xf32>
    %reduce_sum3A = arith.constant dense<0.000000e+00> : vector<512xf32>
    %reduce_sum3A_34 = vector.multi_reduction <add>, %exp3A, %reduce_sum3A [1] : vector<512x1536xf32> to vector<512xf32>
    %broadcast_in_dim3A_35 = vector.shape_cast %reduce_sum3A_34 : vector<512xf32> to vector<512x1xf32>
    %dot_general3A_36 = arith.constant dense<0.000000e+00> : vector<512x64xf32>
    %dot_general3A_37 = tpu.matmul %exp3A, %get3A_16, %dot_general3A_36 {dimension_numbers = #tpu.dot_dimension_numbers<[1], [0], [0], [1], [0, 0, 1, 1], [], []>, transpose_lhs_hint = false} : vector<512x1536xf32>, vector<1536x64xf32>, vector<512x64xf32> -> vector<512x64xf32>
    %div3A = vector.broadcast %broadcast_in_dim3A_35 : vector<512x1xf32> to vector<512x64xf32>
    %div3A_38 = arith.divf %dot_general3A_37, %div3A : vector<512x64xf32>
    %swap3A = arith.constant 0 : index
    %swap3A_39 = arith.constant 0 : index
    %swap3A_40 = arith.constant 0 : index
    %swap3A_41 = vector.load %arg5[%swap3A, %swap3A_39, %swap3A_40] : memref<1x512x64xf32, #tpu.memory_space<vmem>>, vector<1x512x64xf32>
    %swap3A_42 = vector.shape_cast %swap3A_41 : vector<1x512x64xf32> to vector<512x64xf32>
    %swap3A_43 = vector.shape_cast %div3A_38 : vector<512x64xf32> to vector<1x512x64xf32>
    tpu.vector_store %arg5[%swap3A, %swap3A_39, %swap3A_40], %swap3A_43 {strides = array<i32>} : memref<1x512x64xf32, #tpu.memory_space<vmem>>, vector<1x512x64xf32>,
    return
  }
  func.func @transform_0(%arg0: i32, %arg1: i32) -> (i32, i32, i32) {
    %c0_i32 = arith.constant 0 : i32
    %c0_i32_0 = arith.constant 0 : i32
    return %arg0, %arg1, %c0_i32 : i32, i32, i32
  }
  func.func @transform_1(%arg0: i32, %arg1: i32) -> (i32, i32, i32) {
    %c0_i32 = arith.constant 0 : i32
    %c0_i32_0 = arith.constant 0 : i32
    %c0_i32_1 = arith.constant 0 : i32
    return %arg0, %c0_i32, %c0_i32_0 : i32, i32, i32
  }
  func.func @transform_2(%arg0: i32, %arg1: i32) -> (i32, i32, i32) {
    %c0_i32 = arith.constant 0 : i32
    %c0_i32_0 = arith.constant 0 : i32
    %c0_i32_1 = arith.constant 0 : i32
    return %arg0, %c0_i32, %c0_i32_0 : i32, i32, i32
  }
  func.func @transform_3(%arg0: i32, %arg1: i32) -> (i32, i32, i32) {
    %c0_i32 = arith.constant 0 : i32
    %c0_i32_0 = arith.constant 0 : i32
    return %arg0, %arg1, %c0_i32 : i32, i32, i32
  }
}

module attributes {stable_mosaic.version = 14 : i64} {
  func.func @_postattn_body(%arg0: i32, %arg1: memref<12x256x64xf32, #tpu.memory_space<vmem>>, %arg2: memref<12x64x768xf32, #tpu.memory_space<vmem>>, %arg3: memref<768xf32, #tpu.memory_space<vmem>>, %arg4: memref<768xf32, #tpu.memory_space<vmem>>, %arg5: memref<8x768xf32, #tpu.memory_space<vmem>>, %arg6: memref<1x8xf32, #tpu.memory_space<vmem>>, %arg7: memref<256x768xf32, #tpu.memory_space<vmem>>, %arg8: memref<256x8xf32, #tpu.memory_space<vmem>>) attributes {dimension_semantics = [#tpu.dimension_semantics<arbitrary>], iteration_bounds = array<i64: 8>, scalar_prefetch = 0 : i64, scratch_operands = 0 : i64, tpu.core_type = #tpu.core_type<tc>, window_params = [{transform_indices = @transform_0, window_bounds = array<i64: 12, 256, 64>}, {pipeline_mode = #tpu.pipeline_mode<synchronous>, transform_indices = @transform_1, window_bounds = array<i64: 12, 64, 768>}, {pipeline_mode = #tpu.pipeline_mode<synchronous>, transform_indices = @transform_2, window_bounds = array<i64: 768>}, {pipeline_mode = #tpu.pipeline_mode<synchronous>, transform_indices = @transform_3, window_bounds = array<i64: 768>}, {pipeline_mode = #tpu.pipeline_mode<synchronous>, transform_indices = @transform_4, window_bounds = array<i64: 8, 768>}, {pipeline_mode = #tpu.pipeline_mode<synchronous>, transform_indices = @transform_5, window_bounds = array<i64: 1, 8>}, {transform_indices = @transform_6, window_bounds = array<i64: 256, 768>}, {transform_indices = @transform_7, window_bounds = array<i64: 256, 8>}]} {
    %get3A = arith.constant 0 : index
    %get3A_0 = vector.load %arg3[%get3A] : memref<768xf32, #tpu.memory_space<vmem>>, vector<768xf32>
    %broadcast_in_dim3A = arith.constant 0.000000e+00 : f32
    %broadcast_in_dim3A_1 = vector.broadcast %broadcast_in_dim3A : f32 to vector<256x768xf32>
    %broadcast_in_dim3A_2 = vector.shape_cast %get3A_0 : vector<768xf32> to vector<1x768xf32>
    %add3A = vector.broadcast %broadcast_in_dim3A_2 : vector<1x768xf32> to vector<256x768xf32>
    %add3A_3 = arith.addf %add3A, %broadcast_in_dim3A_1 : vector<256x768xf32>
    %get3A_4 = arith.constant 0 : index
    %get3A_5 = arith.constant 0 : index
    %get3A_6 = arith.constant 0 : index
    %get3A_7 = vector.load %arg1[%get3A_4, %get3A_5, %get3A_6] : memref<12x256x64xf32, #tpu.memory_space<vmem>>, vector<1x256x64xf32>
    %get3A_8 = vector.shape_cast %get3A_7 : vector<1x256x64xf32> to vector<256x64xf32>
    %get3A_9 = arith.constant 0 : index
    %get3A_10 = arith.constant 0 : index
    %get3A_11 = arith.constant 0 : index
    %get3A_12 = vector.load %arg2[%get3A_9, %get3A_10, %get3A_11] : memref<12x64x768xf32, #tpu.memory_space<vmem>>, vector<1x64x768xf32>
    %get3A_13 = vector.shape_cast %get3A_12 : vector<1x64x768xf32> to vector<64x768xf32>
    %dot_general3A = arith.constant dense<0.000000e+00> : vector<256x768xf32>
    %dot_general3A_14 = tpu.matmul %get3A_8, %get3A_13, %dot_general3A {dimension_numbers = #tpu.dot_dimension_numbers<[1], [0], [0], [1], [0, 0, 1, 1], [], []>, transpose_lhs_hint = false} : vector<256x64xf32>, vector<64x768xf32>, vector<256x768xf32> -> vector<256x768xf32>
    %add3A_15 = arith.addf %add3A_3, %dot_general3A_14 : vector<256x768xf32>
    %get3A_16 = arith.constant 1 : index
    %get3A_17 = arith.constant 0 : index
    %get3A_18 = arith.constant 0 : index
    %get3A_19 = vector.load %arg1[%get3A_16, %get3A_17, %get3A_18] : memref<12x256x64xf32, #tpu.memory_space<vmem>>, vector<1x256x64xf32>
    %get3A_20 = vector.shape_cast %get3A_19 : vector<1x256x64xf32> to vector<256x64xf32>
    %get3A_21 = arith.constant 1 : index
    %get3A_22 = arith.constant 0 : index
    %get3A_23 = arith.constant 0 : index
    %get3A_24 = vector.load %arg2[%get3A_21, %get3A_22, %get3A_23] : memref<12x64x768xf32, #tpu.memory_space<vmem>>, vector<1x64x768xf32>
    %get3A_25 = vector.shape_cast %get3A_24 : vector<1x64x768xf32> to vector<64x768xf32>
    %dot_general3A_26 = arith.constant dense<0.000000e+00> : vector<256x768xf32>
    %dot_general3A_27 = tpu.matmul %get3A_20, %get3A_25, %dot_general3A_26 {dimension_numbers = #tpu.dot_dimension_numbers<[1], [0], [0], [1], [0, 0, 1, 1], [], []>, transpose_lhs_hint = false} : vector<256x64xf32>, vector<64x768xf32>, vector<256x768xf32> -> vector<256x768xf32>
    %add3A_28 = arith.addf %add3A_15, %dot_general3A_27 : vector<256x768xf32>
    %get3A_29 = arith.constant 2 : index
    %get3A_30 = arith.constant 0 : index
    %get3A_31 = arith.constant 0 : index
    %get3A_32 = vector.load %arg1[%get3A_29, %get3A_30, %get3A_31] : memref<12x256x64xf32, #tpu.memory_space<vmem>>, vector<1x256x64xf32>
    %get3A_33 = vector.shape_cast %get3A_32 : vector<1x256x64xf32> to vector<256x64xf32>
    %get3A_34 = arith.constant 2 : index
    %get3A_35 = arith.constant 0 : index
    %get3A_36 = arith.constant 0 : index
    %get3A_37 = vector.load %arg2[%get3A_34, %get3A_35, %get3A_36] : memref<12x64x768xf32, #tpu.memory_space<vmem>>, vector<1x64x768xf32>
    %get3A_38 = vector.shape_cast %get3A_37 : vector<1x64x768xf32> to vector<64x768xf32>
    %dot_general3A_39 = arith.constant dense<0.000000e+00> : vector<256x768xf32>
    %dot_general3A_40 = tpu.matmul %get3A_33, %get3A_38, %dot_general3A_39 {dimension_numbers = #tpu.dot_dimension_numbers<[1], [0], [0], [1], [0, 0, 1, 1], [], []>, transpose_lhs_hint = false} : vector<256x64xf32>, vector<64x768xf32>, vector<256x768xf32> -> vector<256x768xf32>
    %add3A_41 = arith.addf %add3A_28, %dot_general3A_40 : vector<256x768xf32>
    %get3A_42 = arith.constant 3 : index
    %get3A_43 = arith.constant 0 : index
    %get3A_44 = arith.constant 0 : index
    %get3A_45 = vector.load %arg1[%get3A_42, %get3A_43, %get3A_44] : memref<12x256x64xf32, #tpu.memory_space<vmem>>, vector<1x256x64xf32>
    %get3A_46 = vector.shape_cast %get3A_45 : vector<1x256x64xf32> to vector<256x64xf32>
    %get3A_47 = arith.constant 3 : index
    %get3A_48 = arith.constant 0 : index
    %get3A_49 = arith.constant 0 : index
    %get3A_50 = vector.load %arg2[%get3A_47, %get3A_48, %get3A_49] : memref<12x64x768xf32, #tpu.memory_space<vmem>>, vector<1x64x768xf32>
    %get3A_51 = vector.shape_cast %get3A_50 : vector<1x64x768xf32> to vector<64x768xf32>
    %dot_general3A_52 = arith.constant dense<0.000000e+00> : vector<256x768xf32>
    %dot_general3A_53 = tpu.matmul %get3A_46, %get3A_51, %dot_general3A_52 {dimension_numbers = #tpu.dot_dimension_numbers<[1], [0], [0], [1], [0, 0, 1, 1], [], []>, transpose_lhs_hint = false} : vector<256x64xf32>, vector<64x768xf32>, vector<256x768xf32> -> vector<256x768xf32>
    %add3A_54 = arith.addf %add3A_41, %dot_general3A_53 : vector<256x768xf32>
    %get3A_55 = arith.constant 4 : index
    %get3A_56 = arith.constant 0 : index
    %get3A_57 = arith.constant 0 : index
    %get3A_58 = vector.load %arg1[%get3A_55, %get3A_56, %get3A_57] : memref<12x256x64xf32, #tpu.memory_space<vmem>>, vector<1x256x64xf32>
    %get3A_59 = vector.shape_cast %get3A_58 : vector<1x256x64xf32> to vector<256x64xf32>
    %get3A_60 = arith.constant 4 : index
    %get3A_61 = arith.constant 0 : index
    %get3A_62 = arith.constant 0 : index
    %get3A_63 = vector.load %arg2[%get3A_60, %get3A_61, %get3A_62] : memref<12x64x768xf32, #tpu.memory_space<vmem>>, vector<1x64x768xf32>
    %get3A_64 = vector.shape_cast %get3A_63 : vector<1x64x768xf32> to vector<64x768xf32>
    %dot_general3A_65 = arith.constant dense<0.000000e+00> : vector<256x768xf32>
    %dot_general3A_66 = tpu.matmul %get3A_59, %get3A_64, %dot_general3A_65 {dimension_numbers = #tpu.dot_dimension_numbers<[1], [0], [0], [1], [0, 0, 1, 1], [], []>, transpose_lhs_hint = false} : vector<256x64xf32>, vector<64x768xf32>, vector<256x768xf32> -> vector<256x768xf32>
    %add3A_67 = arith.addf %add3A_54, %dot_general3A_66 : vector<256x768xf32>
    %get3A_68 = arith.constant 5 : index
    %get3A_69 = arith.constant 0 : index
    %get3A_70 = arith.constant 0 : index
    %get3A_71 = vector.load %arg1[%get3A_68, %get3A_69, %get3A_70] : memref<12x256x64xf32, #tpu.memory_space<vmem>>, vector<1x256x64xf32>
    %get3A_72 = vector.shape_cast %get3A_71 : vector<1x256x64xf32> to vector<256x64xf32>
    %get3A_73 = arith.constant 5 : index
    %get3A_74 = arith.constant 0 : index
    %get3A_75 = arith.constant 0 : index
    %get3A_76 = vector.load %arg2[%get3A_73, %get3A_74, %get3A_75] : memref<12x64x768xf32, #tpu.memory_space<vmem>>, vector<1x64x768xf32>
    %get3A_77 = vector.shape_cast %get3A_76 : vector<1x64x768xf32> to vector<64x768xf32>
    %dot_general3A_78 = arith.constant dense<0.000000e+00> : vector<256x768xf32>
    %dot_general3A_79 = tpu.matmul %get3A_72, %get3A_77, %dot_general3A_78 {dimension_numbers = #tpu.dot_dimension_numbers<[1], [0], [0], [1], [0, 0, 1, 1], [], []>, transpose_lhs_hint = false} : vector<256x64xf32>, vector<64x768xf32>, vector<256x768xf32> -> vector<256x768xf32>
    %add3A_80 = arith.addf %add3A_67, %dot_general3A_79 : vector<256x768xf32>
    %get3A_81 = arith.constant 6 : index
    %get3A_82 = arith.constant 0 : index
    %get3A_83 = arith.constant 0 : index
    %get3A_84 = vector.load %arg1[%get3A_81, %get3A_82, %get3A_83] : memref<12x256x64xf32, #tpu.memory_space<vmem>>, vector<1x256x64xf32>
    %get3A_85 = vector.shape_cast %get3A_84 : vector<1x256x64xf32> to vector<256x64xf32>
    %get3A_86 = arith.constant 6 : index
    %get3A_87 = arith.constant 0 : index
    %get3A_88 = arith.constant 0 : index
    %get3A_89 = vector.load %arg2[%get3A_86, %get3A_87, %get3A_88] : memref<12x64x768xf32, #tpu.memory_space<vmem>>, vector<1x64x768xf32>
    %get3A_90 = vector.shape_cast %get3A_89 : vector<1x64x768xf32> to vector<64x768xf32>
    %dot_general3A_91 = arith.constant dense<0.000000e+00> : vector<256x768xf32>
    %dot_general3A_92 = tpu.matmul %get3A_85, %get3A_90, %dot_general3A_91 {dimension_numbers = #tpu.dot_dimension_numbers<[1], [0], [0], [1], [0, 0, 1, 1], [], []>, transpose_lhs_hint = false} : vector<256x64xf32>, vector<64x768xf32>, vector<256x768xf32> -> vector<256x768xf32>
    %add3A_93 = arith.addf %add3A_80, %dot_general3A_92 : vector<256x768xf32>
    %get3A_94 = arith.constant 7 : index
    %get3A_95 = arith.constant 0 : index
    %get3A_96 = arith.constant 0 : index
    %get3A_97 = vector.load %arg1[%get3A_94, %get3A_95, %get3A_96] : memref<12x256x64xf32, #tpu.memory_space<vmem>>, vector<1x256x64xf32>
    %get3A_98 = vector.shape_cast %get3A_97 : vector<1x256x64xf32> to vector<256x64xf32>
    %get3A_99 = arith.constant 7 : index
    %get3A_100 = arith.constant 0 : index
    %get3A_101 = arith.constant 0 : index
    %get3A_102 = vector.load %arg2[%get3A_99, %get3A_100, %get3A_101] : memref<12x64x768xf32, #tpu.memory_space<vmem>>, vector<1x64x768xf32>
    %get3A_103 = vector.shape_cast %get3A_102 : vector<1x64x768xf32> to vector<64x768xf32>
    %dot_general3A_104 = arith.constant dense<0.000000e+00> : vector<256x768xf32>
    %dot_general3A_105 = tpu.matmul %get3A_98, %get3A_103, %dot_general3A_104 {dimension_numbers = #tpu.dot_dimension_numbers<[1], [0], [0], [1], [0, 0, 1, 1], [], []>, transpose_lhs_hint = false} : vector<256x64xf32>, vector<64x768xf32>, vector<256x768xf32> -> vector<256x768xf32>
    %add3A_106 = arith.addf %add3A_93, %dot_general3A_105 : vector<256x768xf32>
    %get3A_107 = arith.constant 8 : index
    %get3A_108 = arith.constant 0 : index
    %get3A_109 = arith.constant 0 : index
    %get3A_110 = vector.load %arg1[%get3A_107, %get3A_108, %get3A_109] : memref<12x256x64xf32, #tpu.memory_space<vmem>>, vector<1x256x64xf32>
    %get3A_111 = vector.shape_cast %get3A_110 : vector<1x256x64xf32> to vector<256x64xf32>
    %get3A_112 = arith.constant 8 : index
    %get3A_113 = arith.constant 0 : index
    %get3A_114 = arith.constant 0 : index
    %get3A_115 = vector.load %arg2[%get3A_112, %get3A_113, %get3A_114] : memref<12x64x768xf32, #tpu.memory_space<vmem>>, vector<1x64x768xf32>
    %get3A_116 = vector.shape_cast %get3A_115 : vector<1x64x768xf32> to vector<64x768xf32>
    %dot_general3A_117 = arith.constant dense<0.000000e+00> : vector<256x768xf32>
    %dot_general3A_118 = tpu.matmul %get3A_111, %get3A_116, %dot_general3A_117 {dimension_numbers = #tpu.dot_dimension_numbers<[1], [0], [0], [1], [0, 0, 1, 1], [], []>, transpose_lhs_hint = false} : vector<256x64xf32>, vector<64x768xf32>, vector<256x768xf32> -> vector<256x768xf32>
    %add3A_119 = arith.addf %add3A_106, %dot_general3A_118 : vector<256x768xf32>
    %get3A_120 = arith.constant 9 : index
    %get3A_121 = arith.constant 0 : index
    %get3A_122 = arith.constant 0 : index
    %get3A_123 = vector.load %arg1[%get3A_120, %get3A_121, %get3A_122] : memref<12x256x64xf32, #tpu.memory_space<vmem>>, vector<1x256x64xf32>
    %get3A_124 = vector.shape_cast %get3A_123 : vector<1x256x64xf32> to vector<256x64xf32>
    %get3A_125 = arith.constant 9 : index
    %get3A_126 = arith.constant 0 : index
    %get3A_127 = arith.constant 0 : index
    %get3A_128 = vector.load %arg2[%get3A_125, %get3A_126, %get3A_127] : memref<12x64x768xf32, #tpu.memory_space<vmem>>, vector<1x64x768xf32>
    %get3A_129 = vector.shape_cast %get3A_128 : vector<1x64x768xf32> to vector<64x768xf32>
    %dot_general3A_130 = arith.constant dense<0.000000e+00> : vector<256x768xf32>
    %dot_general3A_131 = tpu.matmul %get3A_124, %get3A_129, %dot_general3A_130 {dimension_numbers = #tpu.dot_dimension_numbers<[1], [0], [0], [1], [0, 0, 1, 1], [], []>, transpose_lhs_hint = false} : vector<256x64xf32>, vector<64x768xf32>, vector<256x768xf32> -> vector<256x768xf32>
    %add3A_132 = arith.addf %add3A_119, %dot_general3A_131 : vector<256x768xf32>
    %get3A_133 = arith.constant 10 : index
    %get3A_134 = arith.constant 0 : index
    %get3A_135 = arith.constant 0 : index
    %get3A_136 = vector.load %arg1[%get3A_133, %get3A_134, %get3A_135] : memref<12x256x64xf32, #tpu.memory_space<vmem>>, vector<1x256x64xf32>
    %get3A_137 = vector.shape_cast %get3A_136 : vector<1x256x64xf32> to vector<256x64xf32>
    %get3A_138 = arith.constant 10 : index
    %get3A_139 = arith.constant 0 : index
    %get3A_140 = arith.constant 0 : index
    %get3A_141 = vector.load %arg2[%get3A_138, %get3A_139, %get3A_140] : memref<12x64x768xf32, #tpu.memory_space<vmem>>, vector<1x64x768xf32>
    %get3A_142 = vector.shape_cast %get3A_141 : vector<1x64x768xf32> to vector<64x768xf32>
    %dot_general3A_143 = arith.constant dense<0.000000e+00> : vector<256x768xf32>
    %dot_general3A_144 = tpu.matmul %get3A_137, %get3A_142, %dot_general3A_143 {dimension_numbers = #tpu.dot_dimension_numbers<[1], [0], [0], [1], [0, 0, 1, 1], [], []>, transpose_lhs_hint = false} : vector<256x64xf32>, vector<64x768xf32>, vector<256x768xf32> -> vector<256x768xf32>
    %add3A_145 = arith.addf %add3A_132, %dot_general3A_144 : vector<256x768xf32>
    %get3A_146 = arith.constant 11 : index
    %get3A_147 = arith.constant 0 : index
    %get3A_148 = arith.constant 0 : index
    %get3A_149 = vector.load %arg1[%get3A_146, %get3A_147, %get3A_148] : memref<12x256x64xf32, #tpu.memory_space<vmem>>, vector<1x256x64xf32>
    %get3A_150 = vector.shape_cast %get3A_149 : vector<1x256x64xf32> to vector<256x64xf32>
    %get3A_151 = arith.constant 11 : index
    %get3A_152 = arith.constant 0 : index
    %get3A_153 = arith.constant 0 : index
    %get3A_154 = vector.load %arg2[%get3A_151, %get3A_152, %get3A_153] : memref<12x64x768xf32, #tpu.memory_space<vmem>>, vector<1x64x768xf32>
    %get3A_155 = vector.shape_cast %get3A_154 : vector<1x64x768xf32> to vector<64x768xf32>
    %dot_general3A_156 = arith.constant dense<0.000000e+00> : vector<256x768xf32>
    %dot_general3A_157 = tpu.matmul %get3A_150, %get3A_155, %dot_general3A_156 {dimension_numbers = #tpu.dot_dimension_numbers<[1], [0], [0], [1], [0, 0, 1, 1], [], []>, transpose_lhs_hint = false} : vector<256x64xf32>, vector<64x768xf32>, vector<256x768xf32> -> vector<256x768xf32>
    %add3A_158 = arith.addf %add3A_145, %dot_general3A_157 : vector<256x768xf32>
    %swap3A = arith.constant 0 : index
    %swap3A_159 = arith.constant 0 : index
    %swap3A_160 = vector.load %arg7[%swap3A, %swap3A_159] : memref<256x768xf32, #tpu.memory_space<vmem>>, vector<256x768xf32>
    tpu.vector_store %arg7[%swap3A, %swap3A_159], %add3A_158 {strides = array<i32>} : memref<256x768xf32, #tpu.memory_space<vmem>>, vector<256x768xf32>,
    %get3A_161 = arith.constant 0 : index
    %get3A_162 = vector.load %arg4[%get3A_161] : memref<768xf32, #tpu.memory_space<vmem>>, vector<768xf32>
    %mul3A = arith.mulf %add3A_158, %add3A_158 : vector<256x768xf32>
    %reduce_sum3A = arith.constant dense<0.000000e+00> : vector<256xf32>
    %reduce_sum3A_163 = vector.multi_reduction <add>, %mul3A, %reduce_sum3A [1] : vector<256x768xf32> to vector<256xf32>
    %broadcast_in_dim3A_164 = vector.shape_cast %reduce_sum3A_163 : vector<256xf32> to vector<256x1xf32>
    %div3A = arith.constant 7.680000e+02 : f32
    %div3A_165 = vector.broadcast %div3A : f32 to vector<256x1xf32>
    %div3A_166 = arith.divf %broadcast_in_dim3A_164, %div3A_165 : vector<256x1xf32>
    %add3A_167 = arith.constant 9.99999997E-7 : f32
    %add3A_168 = vector.broadcast %add3A_167 : f32 to vector<256x1xf32>
    %add3A_169 = arith.addf %div3A_166, %add3A_168 : vector<256x1xf32>
    %rsqrt3A = math.rsqrt %add3A_169 : vector<256x1xf32>
    %mul3A_170 = vector.broadcast %rsqrt3A : vector<256x1xf32> to vector<256x768xf32>
    %mul3A_171 = arith.mulf %add3A_158, %mul3A_170 : vector<256x768xf32>
    %broadcast_in_dim3A_172 = vector.shape_cast %get3A_162 : vector<768xf32> to vector<1x768xf32>
    %mul3A_173 = vector.broadcast %broadcast_in_dim3A_172 : vector<1x768xf32> to vector<256x768xf32>
    %mul3A_174 = arith.mulf %mul3A_171, %mul3A_173 : vector<256x768xf32>
    %get3A_175 = arith.constant 0 : index
    %get3A_176 = arith.constant 0 : index
    %get3A_177 = vector.load %arg5[%get3A_175, %get3A_176] : memref<8x768xf32, #tpu.memory_space<vmem>>, vector<8x768xf32>
    %dot_general3A_178 = arith.constant dense<0.000000e+00> : vector<256x8xf32>
    %dot_general3A_179 = tpu.matmul %mul3A_174, %get3A_177, %dot_general3A_178 {dimension_numbers = #tpu.dot_dimension_numbers<[1], [1], [0], [0], [0, 0, 1, 0], [], []>, transpose_lhs_hint = false} : vector<256x768xf32>, vector<8x768xf32>, vector<256x8xf32> -> vector<256x8xf32>
    %get3A_180 = arith.constant 0 : index
    %get3A_181 = arith.constant 0 : index
    %get3A_182 = vector.load %arg6[%get3A_180, %get3A_181] : memref<1x8xf32, #tpu.memory_space<vmem>>, vector<1x8xf32>
    %get3A_183 = vector.shape_cast %get3A_182 : vector<1x8xf32> to vector<8xf32>
    %broadcast_in_dim3A_184 = vector.shape_cast %get3A_183 : vector<8xf32> to vector<1x8xf32>
    %add3A_185 = vector.broadcast %broadcast_in_dim3A_184 : vector<1x8xf32> to vector<256x8xf32>
    %add3A_186 = arith.addf %dot_general3A_179, %add3A_185 : vector<256x8xf32>
    %iota3A = tpu.iota {dimensions = array<i32: 1>} : vector<256x8xi32>
    %reduce_max3A = arith.constant dense<0xFF800000> : vector<256xf32>
    %reduce_max3A_187 = vector.multi_reduction <maximumf>, %add3A_186, %reduce_max3A [1] : vector<256x8xf32> to vector<256xf32>
    %broadcast_in_dim3A_188 = vector.shape_cast %reduce_max3A_187 : vector<256xf32> to vector<256x1xf32>
    %eq3A = vector.broadcast %broadcast_in_dim3A_188 : vector<256x1xf32> to vector<256x8xf32>
    %eq3A_189 = arith.cmpf oeq, %add3A_186, %eq3A : vector<256x8xf32>
    %jit3A = arith.constant 8 : i32
    %broadcast_in_dim3A_190 = vector.broadcast %jit3A : i32 to vector<256x8xi32>
    %select_n3A = arith.select %eq3A_189, %iota3A, %broadcast_in_dim3A_190 : vector<256x8xi1>, vector<256x8xi32>
    %reduce_min3A = arith.constant dense<2147483647> : vector<256xi32>
    %reduce_min3A_191 = vector.multi_reduction <minsi>, %select_n3A, %reduce_min3A [1] : vector<256x8xi32> to vector<256xi32>
    %broadcast_in_dim3A_192 = vector.shape_cast %reduce_min3A_191 : vector<256xi32> to vector<256x1xi32>
    %eq3A_193 = vector.broadcast %broadcast_in_dim3A_192 : vector<256x1xi32> to vector<256x8xi32>
    %eq3A_194 = arith.cmpi eq, %iota3A, %eq3A_193 : vector<256x8xi32>
    %jit3A_195 = arith.constant 0xFF800000 : f32
    %broadcast_in_dim3A_196 = vector.broadcast %jit3A_195 : f32 to vector<256x8xf32>
    %select_n3A_197 = arith.select %eq3A_194, %broadcast_in_dim3A_196, %add3A_186 : vector<256x8xi1>, vector<256x8xf32>
    %reduce_max3A_198 = arith.constant dense<0xFF800000> : vector<256xf32>
    %reduce_max3A_199 = vector.multi_reduction <maximumf>, %select_n3A_197, %reduce_max3A_198 [1] : vector<256x8xf32> to vector<256xf32>
    %broadcast_in_dim3A_200 = vector.shape_cast %reduce_max3A_199 : vector<256xf32> to vector<256x1xf32>
    %eq3A_201 = vector.broadcast %broadcast_in_dim3A_200 : vector<256x1xf32> to vector<256x8xf32>
    %eq3A_202 = arith.cmpf oeq, %select_n3A_197, %eq3A_201 : vector<256x8xf32>
    %jit3A_203 = arith.constant 8 : i32
    %broadcast_in_dim3A_204 = vector.broadcast %jit3A_203 : i32 to vector<256x8xi32>
    %select_n3A_205 = arith.select %eq3A_202, %iota3A, %broadcast_in_dim3A_204 : vector<256x8xi1>, vector<256x8xi32>
    %reduce_min3A_206 = arith.constant dense<2147483647> : vector<256xi32>
    %reduce_min3A_207 = vector.multi_reduction <minsi>, %select_n3A_205, %reduce_min3A_206 [1] : vector<256x8xi32> to vector<256xi32>
    %broadcast_in_dim3A_208 = vector.shape_cast %reduce_min3A_207 : vector<256xi32> to vector<256x1xi32>
    %eq3A_209 = vector.broadcast %broadcast_in_dim3A_192 : vector<256x1xi32> to vector<256x8xi32>
    %eq3A_210 = arith.cmpi eq, %iota3A, %eq3A_209 : vector<256x8xi32>
    %eq3A_211 = vector.broadcast %broadcast_in_dim3A_208 : vector<256x1xi32> to vector<256x8xi32>
    %eq3A_212 = arith.cmpi eq, %iota3A, %eq3A_211 : vector<256x8xi32>
    %or3A = arith.ori %eq3A_210, %eq3A_212 : vector<256x8xi1>
    %jit3A_213 = arith.constant 0xFF800000 : f32
    %broadcast_in_dim3A_214 = vector.broadcast %jit3A_213 : f32 to vector<256x8xf32>
    %select_n3A_215 = arith.select %or3A, %add3A_186, %broadcast_in_dim3A_214 : vector<256x8xi1>, vector<256x8xf32>
    %sub3A = vector.broadcast %broadcast_in_dim3A_188 : vector<256x1xf32> to vector<256x8xf32>
    %sub3A_216 = arith.subf %select_n3A_215, %sub3A : vector<256x8xf32>
    %exp3A = math.exp %sub3A_216 : vector<256x8xf32>
    %reduce_sum3A_217 = arith.constant dense<0.000000e+00> : vector<256xf32>
    %reduce_sum3A_218 = vector.multi_reduction <add>, %exp3A, %reduce_sum3A_217 [1] : vector<256x8xf32> to vector<256xf32>
    %broadcast_in_dim3A_219 = vector.shape_cast %reduce_sum3A_218 : vector<256xf32> to vector<256x1xf32>
    %div3A_220 = vector.broadcast %broadcast_in_dim3A_219 : vector<256x1xf32> to vector<256x8xf32>
    %div3A_221 = arith.divf %exp3A, %div3A_220 : vector<256x8xf32>
    %swap3A_222 = arith.constant 0 : index
    %swap3A_223 = arith.constant 0 : index
    %swap3A_224 = vector.load %arg8[%swap3A_222, %swap3A_223] : memref<256x8xf32, #tpu.memory_space<vmem>>, vector<256x8xf32>
    tpu.vector_store %arg8[%swap3A_222, %swap3A_223], %div3A_221 {strides = array<i32>} : memref<256x8xf32, #tpu.memory_space<vmem>>, vector<256x8xf32>,
    return
  }
  func.func @transform_0(%arg0: i32) -> (i32, i32, i32) {
    %c0_i32 = arith.constant 0 : i32
    %c0_i32_0 = arith.constant 0 : i32
    %c0_i32_1 = arith.constant 0 : i32
    return %c0_i32, %arg0, %c0_i32_0 : i32, i32, i32
  }
  func.func @transform_1(%arg0: i32) -> (i32, i32, i32) {
    %c0_i32 = arith.constant 0 : i32
    %c0_i32_0 = arith.constant 0 : i32
    %c0_i32_1 = arith.constant 0 : i32
    %c0_i32_2 = arith.constant 0 : i32
    return %c0_i32, %c0_i32_0, %c0_i32_1 : i32, i32, i32
  }
  func.func @transform_2(%arg0: i32) -> i32 {
    %c0_i32 = arith.constant 0 : i32
    %c0_i32_0 = arith.constant 0 : i32
    return %c0_i32 : i32
  }
  func.func @transform_3(%arg0: i32) -> i32 {
    %c0_i32 = arith.constant 0 : i32
    %c0_i32_0 = arith.constant 0 : i32
    return %c0_i32 : i32
  }
  func.func @transform_4(%arg0: i32) -> (i32, i32) {
    %c0_i32 = arith.constant 0 : i32
    %c0_i32_0 = arith.constant 0 : i32
    %c0_i32_1 = arith.constant 0 : i32
    return %c0_i32, %c0_i32_0 : i32, i32
  }
  func.func @transform_5(%arg0: i32) -> (i32, i32) {
    %c0_i32 = arith.constant 0 : i32
    %c0_i32_0 = arith.constant 0 : i32
    %c0_i32_1 = arith.constant 0 : i32
    return %c0_i32, %c0_i32_0 : i32, i32
  }
  func.func @transform_6(%arg0: i32) -> (i32, i32) {
    %c0_i32 = arith.constant 0 : i32
    %c0_i32_0 = arith.constant 0 : i32
    return %arg0, %c0_i32 : i32, i32
  }
  func.func @transform_7(%arg0: i32) -> (i32, i32) {
    %c0_i32 = arith.constant 0 : i32
    %c0_i32_0 = arith.constant 0 : i32
    return %arg0, %c0_i32 : i32, i32
  }
}

module attributes {stable_mosaic.version = 14 : i64} {
  func.func @_moe_body(%arg0: i32, %arg1: i32, %arg2: memref<2048x768xf32, #tpu.memory_space<vmem>>, %arg3: memref<2048x8xf32, #tpu.memory_space<vmem>>, %arg4: memref<768xf32, #tpu.memory_space<vmem>>, %arg5: memref<1x768x1024xf32, #tpu.memory_space<vmem>>, %arg6: memref<1x1x1024xf32, #tpu.memory_space<vmem>>, %arg7: memref<1x1024x768xf32, #tpu.memory_space<vmem>>, %arg8: memref<1x1x768xf32, #tpu.memory_space<vmem>>, %arg9: memref<2048x768xf32, #tpu.memory_space<vmem>>, %arg10: memref<2048x768xf32, #tpu.memory_space<vmem>>) attributes {dimension_semantics = [#tpu.dimension_semantics<arbitrary>, #tpu.dimension_semantics<arbitrary>], iteration_bounds = array<i64: 8, 3>, scalar_prefetch = 0 : i64, scratch_operands = 1 : i64, tpu.core_type = #tpu.core_type<tc>, window_params = [{pipeline_mode = #tpu.pipeline_mode<synchronous>, transform_indices = @transform_0, window_bounds = array<i64: 2048, 768>}, {pipeline_mode = #tpu.pipeline_mode<synchronous>, transform_indices = @transform_1, window_bounds = array<i64: 2048, 8>}, {pipeline_mode = #tpu.pipeline_mode<synchronous>, transform_indices = @transform_2, window_bounds = array<i64: 768>}, {transform_indices = @transform_3, window_bounds = array<i64: 1, 768, 1024>}, {transform_indices = @transform_4, window_bounds = array<i64: 1, 1, 1024>}, {transform_indices = @transform_5, window_bounds = array<i64: 1, 1024, 768>}, {transform_indices = @transform_6, window_bounds = array<i64: 1, 1, 768>}, {pipeline_mode = #tpu.pipeline_mode<synchronous>, transform_indices = @transform_7, window_bounds = array<i64: 2048, 768>}]} {
    %eq3A = arith.constant 0 : i32
    %eq3A_0 = arith.cmpi eq, %arg0, %eq3A : i32
    %eq3A_1 = arith.constant 0 : i32
    %eq3A_2 = arith.cmpi eq, %arg1, %eq3A_1 : i32
    %and3A = arith.andi %eq3A_0, %eq3A_2 : i1
    %convert_element_type3A = arith.extui %and3A : i1 to i32
    %cond3A = arith.constant 0 : i32
    %cond3A_3 = arith.cmpi ne, %convert_element_type3A, %cond3A : i32
    scf.if %cond3A_3 {
      %get3A_63 = arith.constant 0 : index
      %get3A_64 = arith.constant 0 : index
      %get3A_65 = vector.load %arg2[%get3A_63, %get3A_64] : memref<2048x768xf32, #tpu.memory_space<vmem>>, vector<2048x768xf32>
      %get3A_66 = arith.constant 0 : index
      %get3A_67 = vector.load %arg4[%get3A_66] : memref<768xf32, #tpu.memory_space<vmem>>, vector<768xf32>
      %mul3A_68 = arith.mulf %get3A_65, %get3A_65 : vector<2048x768xf32>
      %reduce_sum3A_69 = arith.constant dense<0.000000e+00> : vector<2048xf32>
      %reduce_sum3A_70 = vector.multi_reduction <add>, %mul3A_68, %reduce_sum3A_69 [1] : vector<2048x768xf32> to vector<2048xf32>
      %broadcast_in_dim3A_71 = vector.shape_cast %reduce_sum3A_70 : vector<2048xf32> to vector<2048x1xf32>
      %div3A = arith.constant 7.680000e+02 : f32
      %div3A_72 = vector.broadcast %div3A : f32 to vector<2048x1xf32>
      %div3A_73 = arith.divf %broadcast_in_dim3A_71, %div3A_72 : vector<2048x1xf32>
      %add3A_74 = arith.constant 9.99999997E-7 : f32
      %add3A_75 = vector.broadcast %add3A_74 : f32 to vector<2048x1xf32>
      %add3A_76 = arith.addf %div3A_73, %add3A_75 : vector<2048x1xf32>
      %rsqrt3A = math.rsqrt %add3A_76 : vector<2048x1xf32>
      %mul3A_77 = vector.broadcast %rsqrt3A : vector<2048x1xf32> to vector<2048x768xf32>
      %mul3A_78 = arith.mulf %get3A_65, %mul3A_77 : vector<2048x768xf32>
      %broadcast_in_dim3A_79 = vector.shape_cast %get3A_67 : vector<768xf32> to vector<1x768xf32>
      %mul3A_80 = vector.broadcast %broadcast_in_dim3A_79 : vector<1x768xf32> to vector<2048x768xf32>
      %mul3A_81 = arith.mulf %mul3A_78, %mul3A_80 : vector<2048x768xf32>
      %swap3A_82 = arith.constant 0 : index
      %swap3A_83 = arith.constant 0 : index
      %swap3A_84 = vector.load %arg10[%swap3A_82, %swap3A_83] : memref<2048x768xf32, #tpu.memory_space<vmem>>, vector<2048x768xf32>
      tpu.vector_store %arg10[%swap3A_82, %swap3A_83], %mul3A_81 {strides = array<i32>} : memref<2048x768xf32, #tpu.memory_space<vmem>>, vector<2048x768xf32>,
      %get3A_85 = arith.constant 0 : index
      %get3A_86 = arith.constant 0 : index
      %get3A_87 = vector.load %arg2[%get3A_85, %get3A_86] : memref<2048x768xf32, #tpu.memory_space<vmem>>, vector<2048x768xf32>
      %swap3A_88 = arith.constant 0 : index
      %swap3A_89 = arith.constant 0 : index
      %swap3A_90 = vector.load %arg9[%swap3A_88, %swap3A_89] : memref<2048x768xf32, #tpu.memory_space<vmem>>, vector<2048x768xf32>
      tpu.vector_store %arg9[%swap3A_88, %swap3A_89], %get3A_87 {strides = array<i32>} : memref<2048x768xf32, #tpu.memory_space<vmem>>, vector<2048x768xf32>,
    } else {
    }
    %get3A = arith.constant 0 : index
    %get3A_4 = arith.constant 0 : index
    %get3A_5 = vector.load %arg10[%get3A, %get3A_4] : memref<2048x768xf32, #tpu.memory_space<vmem>>, vector<2048x768xf32>
    %get3A_6 = arith.constant 0 : index
    %get3A_7 = arith.constant 0 : index
    %get3A_8 = arith.constant 0 : index
    %get3A_9 = vector.load %arg5[%get3A_6, %get3A_7, %get3A_8] : memref<1x768x1024xf32, #tpu.memory_space<vmem>>, vector<1x768x1024xf32>
    %get3A_10 = vector.shape_cast %get3A_9 : vector<1x768x1024xf32> to vector<768x1024xf32>
    %dot_general3A = arith.constant dense<0.000000e+00> : vector<2048x1024xf32>
    %dot_general3A_11 = tpu.matmul %get3A_5, %get3A_10, %dot_general3A {dimension_numbers = #tpu.dot_dimension_numbers<[1], [0], [0], [1], [0, 0, 1, 1], [], []>, transpose_lhs_hint = false} : vector<2048x768xf32>, vector<768x1024xf32>, vector<2048x1024xf32> -> vector<2048x1024xf32>
    %get3A_12 = arith.constant 0 : index
    %get3A_13 = arith.constant 0 : index
    %get3A_14 = arith.constant 0 : index
    %get3A_15 = vector.load %arg6[%get3A_12, %get3A_13, %get3A_14] : memref<1x1x1024xf32, #tpu.memory_space<vmem>>, vector<1x1x1024xf32>
    %get3A_16 = vector.shape_cast %get3A_15 : vector<1x1x1024xf32> to vector<1024xf32>
    %broadcast_in_dim3A = vector.shape_cast %get3A_16 : vector<1024xf32> to vector<1x1024xf32>
    %add3A = vector.broadcast %broadcast_in_dim3A : vector<1x1024xf32> to vector<2048x1024xf32>
    %add3A_17 = arith.addf %dot_general3A_11, %add3A : vector<2048x1024xf32>
    %logistic3A = arith.negf %add3A_17 : vector<2048x1024xf32>
    %logistic3A_18 = math.exp %logistic3A : vector<2048x1024xf32>
    %logistic3A_19 = arith.constant 1.000000e+00 : f32
    %logistic3A_20 = vector.broadcast %logistic3A_19 : f32 to vector<2048x1024xf32>
    %logistic3A_21 = arith.addf %logistic3A_20, %logistic3A_18 : vector<2048x1024xf32>
    %logistic3A_22 = arith.divf %logistic3A_20, %logistic3A_21 : vector<2048x1024xf32>
    %mul3A = arith.mulf %add3A_17, %logistic3A_22 : vector<2048x1024xf32>
    %get3A_23 = arith.constant 0 : index
    %get3A_24 = arith.constant 0 : index
    %get3A_25 = arith.constant 0 : index
    %get3A_26 = vector.load %arg7[%get3A_23, %get3A_24, %get3A_25] : memref<1x1024x768xf32, #tpu.memory_space<vmem>>, vector<1x1024x768xf32>
    %get3A_27 = vector.shape_cast %get3A_26 : vector<1x1024x768xf32> to vector<1024x768xf32>
    %dot_general3A_28 = arith.constant dense<0.000000e+00> : vector<2048x768xf32>
    %dot_general3A_29 = tpu.matmul %mul3A, %get3A_27, %dot_general3A_28 {dimension_numbers = #tpu.dot_dimension_numbers<[1], [0], [0], [1], [0, 0, 1, 1], [], []>, transpose_lhs_hint = false} : vector<2048x1024xf32>, vector<1024x768xf32>, vector<2048x768xf32> -> vector<2048x768xf32>
    %get3A_30 = arith.constant 0 : index
    %get3A_31 = arith.constant 0 : index
    %get3A_32 = vector.load %arg3[%get3A_30, %get3A_31] : memref<2048x8xf32, #tpu.memory_space<vmem>>, vector<2048x8xf32>
    %iota3A = tpu.iota {dimensions = array<i32: 1>} : vector<2048x8xi32>
    %eq3A_33 = vector.broadcast %arg0 : i32 to vector<2048x8xi32>
    %eq3A_34 = arith.cmpi eq, %iota3A, %eq3A_33 : vector<2048x8xi32>
    %jit3A = arith.constant 0.000000e+00 : f32
    %broadcast_in_dim3A_35 = vector.broadcast %jit3A : f32 to vector<2048x8xf32>
    %select_n3A = arith.select %eq3A_34, %get3A_32, %broadcast_in_dim3A_35 : vector<2048x8xi1>, vector<2048x8xf32>
    %reduce_sum3A = arith.constant dense<0.000000e+00> : vector<2048xf32>
    %reduce_sum3A_36 = vector.multi_reduction <add>, %select_n3A, %reduce_sum3A [1] : vector<2048x8xf32> to vector<2048xf32>
    %broadcast_in_dim3A_37 = vector.shape_cast %reduce_sum3A_36 : vector<2048xf32> to vector<2048x1xf32>
    %mul3A_38 = vector.broadcast %broadcast_in_dim3A_37 : vector<2048x1xf32> to vector<2048x768xf32>
    %mul3A_39 = arith.mulf %dot_general3A_29, %mul3A_38 : vector<2048x768xf32>
    %eq3A_40 = arith.constant 0 : i32
    %eq3A_41 = arith.cmpi eq, %arg1, %eq3A_40 : i32
    %jit3A_42 = arith.constant 1.000000e+00 : f32
    %jit3A_43 = arith.constant 0.000000e+00 : f32
    %select_n3A_44 = arith.select %eq3A_41, %jit3A_42, %jit3A_43 : f32
    %get3A_45 = arith.constant 0 : index
    %get3A_46 = arith.constant 0 : index
    %get3A_47 = arith.constant 0 : index
    %get3A_48 = vector.load %arg8[%get3A_45, %get3A_46, %get3A_47] : memref<1x1x768xf32, #tpu.memory_space<vmem>>, vector<1x1x768xf32>
    %get3A_49 = vector.shape_cast %get3A_48 : vector<1x1x768xf32> to vector<768xf32>
    %broadcast_in_dim3A_50 = vector.shape_cast %get3A_49 : vector<768xf32> to vector<1x768xf32>
    %mul3A_51 = vector.broadcast %broadcast_in_dim3A_37 : vector<2048x1xf32> to vector<2048x768xf32>
    %mul3A_52 = vector.broadcast %broadcast_in_dim3A_50 : vector<1x768xf32> to vector<2048x768xf32>
    %mul3A_53 = arith.mulf %mul3A_51, %mul3A_52 : vector<2048x768xf32>
    %mul3A_54 = vector.broadcast %select_n3A_44 : f32 to vector<2048x768xf32>
    %mul3A_55 = arith.mulf %mul3A_54, %mul3A_53 : vector<2048x768xf32>
    %add3A_56 = arith.addf %mul3A_39, %mul3A_55 : vector<2048x768xf32>
    %get3A_57 = arith.constant 0 : index
    %get3A_58 = arith.constant 0 : index
    %get3A_59 = vector.load %arg9[%get3A_57, %get3A_58] : memref<2048x768xf32, #tpu.memory_space<vmem>>, vector<2048x768xf32>
    %add3A_60 = arith.addf %get3A_59, %add3A_56 : vector<2048x768xf32>
    %swap3A = arith.constant 0 : index
    %swap3A_61 = arith.constant 0 : index
    %swap3A_62 = vector.load %arg9[%swap3A, %swap3A_61] : memref<2048x768xf32, #tpu.memory_space<vmem>>, vector<2048x768xf32>
    tpu.vector_store %arg9[%swap3A, %swap3A_61], %add3A_60 {strides = array<i32>} : memref<2048x768xf32, #tpu.memory_space<vmem>>, vector<2048x768xf32>,
    return
  }
  func.func @transform_0(%arg0: i32, %arg1: i32) -> (i32, i32) {
    %c0_i32 = arith.constant 0 : i32
    %c0_i32_0 = arith.constant 0 : i32
    %c0_i32_1 = arith.constant 0 : i32
    return %c0_i32, %c0_i32_0 : i32, i32
  }
  func.func @transform_1(%arg0: i32, %arg1: i32) -> (i32, i32) {
    %c0_i32 = arith.constant 0 : i32
    %c0_i32_0 = arith.constant 0 : i32
    %c0_i32_1 = arith.constant 0 : i32
    return %c0_i32, %c0_i32_0 : i32, i32
  }
  func.func @transform_2(%arg0: i32, %arg1: i32) -> i32 {
    %c0_i32 = arith.constant 0 : i32
    %c0_i32_0 = arith.constant 0 : i32
    return %c0_i32 : i32
  }
  func.func @transform_3(%arg0: i32, %arg1: i32) -> (i32, i32, i32) {
    %c0_i32 = arith.constant 0 : i32
    %c0_i32_0 = arith.constant 0 : i32
    return %arg0, %c0_i32, %arg1 : i32, i32, i32
  }
  func.func @transform_4(%arg0: i32, %arg1: i32) -> (i32, i32, i32) {
    %c0_i32 = arith.constant 0 : i32
    %c0_i32_0 = arith.constant 0 : i32
    return %arg0, %c0_i32, %arg1 : i32, i32, i32
  }
  func.func @transform_5(%arg0: i32, %arg1: i32) -> (i32, i32, i32) {
    %c0_i32 = arith.constant 0 : i32
    %c0_i32_0 = arith.constant 0 : i32
    return %arg0, %arg1, %c0_i32 : i32, i32, i32
  }
  func.func @transform_6(%arg0: i32, %arg1: i32) -> (i32, i32, i32) {
    %c0_i32 = arith.constant 0 : i32
    %c0_i32_0 = arith.constant 0 : i32
    %c0_i32_1 = arith.constant 0 : i32
    return %arg0, %c0_i32, %c0_i32_0 : i32, i32, i32
  }
  func.func @transform_7(%arg0: i32, %arg1: i32) -> (i32, i32) {
    %c0_i32 = arith.constant 0 : i32
    %c0_i32_0 = arith.constant 0 : i32
    %c0_i32_1 = arith.constant 0 : i32
    return %c0_i32, %c0_i32_0 : i32, i32
  }
}

module attributes {stable_mosaic.version = 14 : i64} {
  func.func @_lm_body(%arg0: i32, %arg1: memref<2048x768xf32, #tpu.memory_space<vmem>>, %arg2: memref<768xf32, #tpu.memory_space<vmem>>, %arg3: memref<1024x768xf32, #tpu.memory_space<vmem>>, %arg4: memref<1x1024xf32, #tpu.memory_space<vmem>>, %arg5: memref<2048x1024xf32, #tpu.memory_space<vmem>>, %arg6: memref<2048x768xf32, #tpu.memory_space<vmem>>) attributes {dimension_semantics = [#tpu.dimension_semantics<arbitrary>], iteration_bounds = array<i64: 32>, scalar_prefetch = 0 : i64, scratch_operands = 1 : i64, tpu.core_type = #tpu.core_type<tc>, window_params = [{pipeline_mode = #tpu.pipeline_mode<synchronous>, transform_indices = @transform_0, window_bounds = array<i64: 2048, 768>}, {pipeline_mode = #tpu.pipeline_mode<synchronous>, transform_indices = @transform_1, window_bounds = array<i64: 768>}, {transform_indices = @transform_2, window_bounds = array<i64: 1024, 768>}, {transform_indices = @transform_3, window_bounds = array<i64: 1, 1024>}, {transform_indices = @transform_4, window_bounds = array<i64: 2048, 1024>}]} {
    %eq3A = arith.constant 0 : i32
    %eq3A_0 = arith.cmpi eq, %arg0, %eq3A : i32
    %convert_element_type3A = arith.extui %eq3A_0 : i1 to i32
    %cond3A = arith.constant 0 : i32
    %cond3A_1 = arith.cmpi ne, %convert_element_type3A, %cond3A : i32
    scf.if %cond3A_1 {
      %get3A_15 = arith.constant 0 : index
      %get3A_16 = arith.constant 0 : index
      %get3A_17 = vector.load %arg1[%get3A_15, %get3A_16] : memref<2048x768xf32, #tpu.memory_space<vmem>>, vector<2048x768xf32>
      %get3A_18 = arith.constant 0 : index
      %get3A_19 = vector.load %arg2[%get3A_18] : memref<768xf32, #tpu.memory_space<vmem>>, vector<768xf32>
      %mul3A = arith.mulf %get3A_17, %get3A_17 : vector<2048x768xf32>
      %reduce_sum3A = arith.constant dense<0.000000e+00> : vector<2048xf32>
      %reduce_sum3A_20 = vector.multi_reduction <add>, %mul3A, %reduce_sum3A [1] : vector<2048x768xf32> to vector<2048xf32>
      %broadcast_in_dim3A_21 = vector.shape_cast %reduce_sum3A_20 : vector<2048xf32> to vector<2048x1xf32>
      %div3A = arith.constant 7.680000e+02 : f32
      %div3A_22 = vector.broadcast %div3A : f32 to vector<2048x1xf32>
      %div3A_23 = arith.divf %broadcast_in_dim3A_21, %div3A_22 : vector<2048x1xf32>
      %add3A_24 = arith.constant 9.99999997E-7 : f32
      %add3A_25 = vector.broadcast %add3A_24 : f32 to vector<2048x1xf32>
      %add3A_26 = arith.addf %div3A_23, %add3A_25 : vector<2048x1xf32>
      %rsqrt3A = math.rsqrt %add3A_26 : vector<2048x1xf32>
      %mul3A_27 = vector.broadcast %rsqrt3A : vector<2048x1xf32> to vector<2048x768xf32>
      %mul3A_28 = arith.mulf %get3A_17, %mul3A_27 : vector<2048x768xf32>
      %broadcast_in_dim3A_29 = vector.shape_cast %get3A_19 : vector<768xf32> to vector<1x768xf32>
      %mul3A_30 = vector.broadcast %broadcast_in_dim3A_29 : vector<1x768xf32> to vector<2048x768xf32>
      %mul3A_31 = arith.mulf %mul3A_28, %mul3A_30 : vector<2048x768xf32>
      %swap3A_32 = arith.constant 0 : index
      %swap3A_33 = arith.constant 0 : index
      %swap3A_34 = vector.load %arg6[%swap3A_32, %swap3A_33] : memref<2048x768xf32, #tpu.memory_space<vmem>>, vector<2048x768xf32>
      tpu.vector_store %arg6[%swap3A_32, %swap3A_33], %mul3A_31 {strides = array<i32>} : memref<2048x768xf32, #tpu.memory_space<vmem>>, vector<2048x768xf32>,
    } else {
    }
    %get3A = arith.constant 0 : index
    %get3A_2 = arith.constant 0 : index
    %get3A_3 = vector.load %arg6[%get3A, %get3A_2] : memref<2048x768xf32, #tpu.memory_space<vmem>>, vector<2048x768xf32>
    %get3A_4 = arith.constant 0 : index
    %get3A_5 = arith.constant 0 : index
    %get3A_6 = vector.load %arg3[%get3A_4, %get3A_5] : memref<1024x768xf32, #tpu.memory_space<vmem>>, vector<1024x768xf32>
    %dot_general3A = arith.constant dense<0.000000e+00> : vector<2048x1024xf32>
    %dot_general3A_7 = tpu.matmul %get3A_3, %get3A_6, %dot_general3A {dimension_numbers = #tpu.dot_dimension_numbers<[1], [1], [0], [0], [0, 0, 1, 0], [], []>, transpose_lhs_hint = false} : vector<2048x768xf32>, vector<1024x768xf32>, vector<2048x1024xf32> -> vector<2048x1024xf32>
    %get3A_8 = arith.constant 0 : index
    %get3A_9 = arith.constant 0 : index
    %get3A_10 = vector.load %arg4[%get3A_8, %get3A_9] : memref<1x1024xf32, #tpu.memory_space<vmem>>, vector<1x1024xf32>
    %get3A_11 = vector.shape_cast %get3A_10 : vector<1x1024xf32> to vector<1024xf32>
    %broadcast_in_dim3A = vector.shape_cast %get3A_11 : vector<1024xf32> to vector<1x1024xf32>
    %add3A = vector.broadcast %broadcast_in_dim3A : vector<1x1024xf32> to vector<2048x1024xf32>
    %add3A_12 = arith.addf %dot_general3A_7, %add3A : vector<2048x1024xf32>
    %swap3A = arith.constant 0 : index
    %swap3A_13 = arith.constant 0 : index
    %swap3A_14 = vector.load %arg5[%swap3A, %swap3A_13] : memref<2048x1024xf32, #tpu.memory_space<vmem>>, vector<2048x1024xf32>
    tpu.vector_store %arg5[%swap3A, %swap3A_13], %add3A_12 {strides = array<i32>} : memref<2048x1024xf32, #tpu.memory_space<vmem>>, vector<2048x1024xf32>,
    return
  }
  func.func @transform_0(%arg0: i32) -> (i32, i32) {
    %c0_i32 = arith.constant 0 : i32
    %c0_i32_0 = arith.constant 0 : i32
    %c0_i32_1 = arith.constant 0 : i32
    return %c0_i32, %c0_i32_0 : i32, i32
  }
  func.func @transform_1(%arg0: i32) -> i32 {
    %c0_i32 = arith.constant 0 : i32
    %c0_i32_0 = arith.constant 0 : i32
    return %c0_i32 : i32
  }
  func.func @transform_2(%arg0: i32) -> (i32, i32) {
    %c0_i32 = arith.constant 0 : i32
    %c0_i32_0 = arith.constant 0 : i32
    return %arg0, %c0_i32 : i32, i32
  }
  func.func @transform_3(%arg0: i32) -> (i32, i32) {
    %c0_i32 = arith.constant 0 : i32
    %c0_i32_0 = arith.constant 0 : i32
    return %c0_i32, %arg0 : i32, i32
  }
  func.func @transform_4(%arg0: i32) -> (i32, i32) {
    %c0_i32 = arith.constant 0 : i32
    %c0_i32_0 = arith.constant 0 : i32
    return %c0_i32, %arg0 : i32, i32
  }
}

</mosaic_0001>

<sc_bundles>
// kernel: kernel.8.cloned.1.call-start
scs
__scs_entry_jumppad:
0x0: {  	(pc) =	sbr.rel $0x88, $3  }
0x1: {  	(tag) =	ssettag $0x0;
	lr =	simm.s32 $0x1  }
0x2: {  	[smem:$0x3F91] =	sst lr;
	_ =	strace $0xD0000000  }
0x3: {  	_ = 	snop  }
0x4: {  	_ = 	snop  }
0x5: {  	_ = 	snop  }
0x6: {  	_ = 	snop  }
0x7: {  	_ = 	snop  }
__scs_overlays_trampoline_lowered:
0x8: {  	[smem:$0x3FA0] =	sst s0  }
0x9: {  	[smem:$0x3FA1] =	sst s1  }
0xa: {  	[smem:$0x3FA2] =	sst s2  }
0xb: {  	[smem:$0x3FA3] =	sst s3  }
0xc: {  	[smem:$0x3FA4] =	sst s4  }
0xd: {  	[smem:$0x3FA5] =	sst s5  }
0xe: {  	[smem:$0x3FA6] =	sst s6  }
0xf: {  	[smem:$0x3FA7] =	sst s7  }
0x10: {  	[smem:$0x3FA8] =	sst s8  }
0x11: {  	[smem:$0x3FA9] =	sst s9;
	s0 =	simm.s32 @!p0 $0x0  }
0x12: {  	s1 =	sld [smem:$0x3F8F];
	s0 =	simm.s32 @p0 $0x1  }
0x13: {  	[smem:$0x3FAA] =	sst s0;
	s0 =	simm.s32 @!p1 $0x0  }
0x14: {  	s2 =	sld [smem:$0x3F8E];
	s0 =	simm.s32 @p1 $0x1  }
0x15: {  	[smem:$0x3FAB] =	sst s0;
	s0 =	simm.s32 @!p2 $0x0  }
0x16: {  	s3 =	sld [smem:$0x3FDB];
	s0 =	simm.s32 @p2 $0x1  }
0x17: {  	s4 =	simm.s32 $0x1BF5;
	[smem:$0x3FAD] =	sst s0  }
0x18: {  	s0 =	sld [smem:$0x3F90];
	_ =	swait.ge [sflag:s4], $0x0  }
0x19: {  	s7 =	sld [smem:$0x3F91]  }
0x1a: {  	s8 =	sadd.s32 $0xFFFFE003, lr  }
0x1b: {  	s9 =	sadd.s32 $0xFFFFFEF7, lr;
	s5 =	simm.s32 $0xFFFFFFFF;
	p2 =	slt.u32 s8, $0xFFFFF086  }
0x1c: {  	p1 =	slt.u32 s9, $0xF7A;
	s5 =	simm.s32 @!p2 $0x0  }
0x1d: {  	s5 =	simm.s32 @p1 $0x1;
	p0 =	seq.s32 s7, s2  }
0x1e: {  	s7 =	smul.u32 @!p0 $0xF7A, s2;
	p2 =	seq.s32 @!p0 s5, $0x0  }
0x1f: {  	s9 =	smul.u32 $0xF7A, s1;
	s8 =	simm.s32 @!p0 $0x1BF5;
	p2 =	por !p2, p0  }
0x20: {  	[sflag:s8] =	ssyncset.s32 @!p0 $0xFFFFF086;
	s6 =	sadd.s32 @!p0 s3, s7;
	s7 =	simm.s32 @!p0 $0x108  }
0x21: {  	s3 =	sadd.s32 s3, s9;
	s6 =	sadd.s32 @!p0 $0x88, s6;
	s7 =	simm.s32 @p2 $0x1082  }
0x22: {  	[simem:s7], [sflag:s8] =	dma.local @!p0 [hbm:s6], $0xF7A  }
0x23: {  	s9 =	sor.u32 $0xD0000000, s2;
	s6 =	simm.s32 $0x108;
	_ =	swait.ge @!p0 [sflag:s8], $0x0  }
0x24: {  	s3 =	sadd.s32 $0x88, s3;
	s6 =	simm.s32 @!p1 $0x1082;
	[sflag:s4] =	ssyncset.s32 $0xFFFFF086  }
0x25: {  	[simem:s6], [sflag:s4] =	dma.local [hbm:s3], $0xF7A  }
0x26: {  	[smem:$0x3F91] =	sst s1;
	(tag) =	ssettag s2;
	_ =	strace s9  }
0x27: {  	s1 =	sld [smem:$0x3FA1]  }
0x28: {  	s2 =	sld [smem:$0x3FA2]  }
0x29: {  	s4 =	sld [smem:$0x3FA4]  }
0x2a: {  	p0 =	seq.s32 s5, $0x0;
	s5 =	sld [smem:$0x3FA5]  }
0x2b: {  	s6 =	sld [smem:$0x3FA6]  }
0x2c: {  	s7 =	sld [smem:$0x3FA7]  }
0x2d: {  	s3 =	simm.s32 $0x108;
	s8 =	sld [smem:$0x3FA8]  }
0x2e: {  	s3 =	simm.s32 @!p0 $0x1082;
	s9 =	sld [smem:$0x3FA9]  }
0x2f: {  	lr =	sadd.s32 s0, s3;
	s0 =	sld [smem:$0x3FA0]  }
0x30: {  	s3 =	sld [smem:$0x3FA3]  }
0x31: {  	[smem:$0x3FAC] =	sst s10  }
0x32: {  	s10 =	sld [smem:$0x3FAA];
	_ =	sdelay $0x3  }
0x33: {  	p0 =	seq.s32 s10, $0x1;
	s10 =	sld [smem:$0x3FAC];
	_ =	sdelay $0x3  }
0x34: {  	[smem:$0x3FAC] =	sst s10  }
0x35: {  	s10 =	sld [smem:$0x3FAB];
	_ =	sdelay $0x3  }
0x36: {  	p1 =	seq.s32 s10, $0x1;
	s10 =	sld [smem:$0x3FAC];
	_ =	sdelay $0x3  }
0x37: {  	[smem:$0x3FAC] =	sst s10  }
0x38: {  	s10 =	sld [smem:$0x3FAD]  }
0x39: {  	_ = 	snop;
	(pc) =	sbr.ind lr, $3  }
0x3a: {  	_ = 	snop  }
0x3b: {  	_ = 	snop  }
0x3c: {  	p2 =	seq.s32 s10, $0x1;
	s10 =	sld [smem:$0x3FAC]  }
0x3d: {  	_ =	shalt  }
0x3e: {  	_ =	shalt  }
0x3f: {  	_ =	shalt  }
0x40: {  	_ =	shalt  }
0x41: {  	_ =	shalt  }
0x42: {  	_ =	shalt  }
0x43: {  	_ =	shalt  }
0x44: {  	_ =	shalt  }
0x45: {  	_ =	shalt  }
0x46: {  	_ =	shalt  }
0x47: {  	_ =	shalt  }
0x48: {  	_ =	shalt  }
0x49: {  	_ =	shalt  }
0x4a: {  	_ =	shalt  }
0x4b: {  	_ =	shalt  }
0x4c: {  	_ =	shalt  }
0x4d: {  	_ =	shalt  }
0x4e: {  	_ =	shalt  }
0x4f: {  	_ =	shalt  }
0x50: {  	_ =	shalt  }
0x51: {  	_ =	shalt  }
0x52: {  	_ =	shalt  }
0x53: {  	_ =	shalt  }
0x54: {  	_ =	shalt  }
0x55: {  	_ =	shalt  }
0x56: {  	_ =	shalt  }
0x57: {  	_ =	shalt  }
0x58: {  	_ =	shalt  }
0x59: {  	_ =	shalt  }
0x5a: {  	_ =	shalt  }
0x5b: {  	_ =	shalt  }
0x5c: {  	_ =	shalt  }
0x5d: {  	_ =	shalt  }
0x5e: {  	_ =	shalt  }
0x5f: {  	_ =	shalt  }
0x60: {  	_ =	shalt  }
0x61: {  	_ =	shalt  }
0x62: {  	_ =	shalt  }
0x63: {  	_ =	shalt  }
0x64: {  	_ =	shalt  }
0x65: {  	_ =	shalt  }
0x66: {  	_ =	shalt  }
0x67: {  	_ =	shalt  }
0x68: {  	_ =	shalt  }
0x69: {  	_ =	shalt  }
0x6a: {  	_ =	shalt  }
0x6b: {  	_ =	shalt  }
0x6c: {  	_ =	shalt  }
0x6d: {  	_ =	shalt  }
0x6e: {  	_ =	shalt  }
0x6f: {  	_ =	shalt  }
0x70: {  	_ =	shalt  }
0x71: {  	_ =	shalt  }
0x72: {  	_ =	shalt  }
0x73: {  	_ =	shalt  }
0x74: {  	_ =	shalt  }
0x75: {  	_ =	shalt  }
0x76: {  	_ =	shalt  }
0x77: {  	_ =	shalt  }
0x78: {  	_ =	shalt  }
0x79: {  	_ =	shalt  }
0x7a: {  	_ =	shalt  }
0x7b: {  	_ =	shalt  }
0x7c: {  	_ =	shalt  }
0x7d: {  	_ =	shalt  }
0x7e: {  	_ =	shalt  }
0x7f: {  	_ =	shalt  }
0x80: {  	_ =	shalt  }
0x81: {  	_ =	shalt  }
0x82: {  	_ =	shalt  }
0x83: {  	_ =	shalt  }
0x84: {  	_ =	shalt  }
0x85: {  	_ =	shalt  }
0x86: {  	_ =	shalt  }
0x87: {  	_ =	shalt  }
.Lfunc_end0:
.L_simem_size_0:
called_computation.1_lowered:
.L_overlay_start_0:
0x88: {  	s2 =	sld [smem:$0x3FD9]  }
0x89: {  	s3 =	sld [smem:$0x3FFE];
	_ =	sdelay $0x1  }
0x8a: {  	s1 =	srdreg.scid  }
0x8b: {  	s0 =	sand.u32 $0x1, s1  }
0x8c: {  	s18 =	sshll.u32 s0, $0xA;
	s2 =	sadd.s32 s3, s2  }
0x8d: {  	s2 =	sadd.s32 s2, s18  }
0x8e: {  	[smem:$0x3FB8] =	sst s2  }
0x8f: {  	_ = 	snop  }
0x90: {  	s2 =	sld [smem:$0x3FC9]  }
0x91: {  	s19 =	sld [smem:$0x3FC8]  }
0x92: {  	s4 =	sld [smem:$0x3FD0];
	(tm) =	ssettm $0x1  }
0x93: {  	s5 =	sld [smem:$0x3FFB];
	_ =	sdelay $0x3  }
0x94: {  	_ =	strace s5  }
0x95: {  	s5 =	sld [smem:$0x3FFC];
	_ =	sdelay $0x3  }
0x96: {  	_ =	strace s5  }
0x97: {  	s5 =	sld [smem:$0x3FFD];
	_ =	sdelay $0x3  }
0x98: {  	_ =	strace s5  }
0x99: {  	_ =	strace $0x8FFFFFFF  }
0x9a: {  	s20 =	sld [smem:$0x3FDB];
	_ =	sdelay $0x1  }
0x9b: {  	s6 =	simm.s32 $_scs_section_size  }
0x9c: {  	s7 =	simm.s32 $_size__tile_overlayer_lowered;
	s8 =	simm.s32 $_tile_overlayer_lowered  }
0x9d: {  	s23 =	simm.s32 $0x1BFF;
	s22 =	sshll.u32 s8, $0x1;
	s5 =	sadd.s32 s6, s20  }
0x9e: {  	s9 =	simm.s32 $0x0;
	s21 =	sshll.u32 s7, $0x1;
	s7 =	sadd.s32 s22, s5  }
0x9f: {  	[timem:s9], [sflag:s23] =	dma.local [hbm:s7], s21  }
0xa0: {  	_ =	swait.ge [sflag:s23], s21  }
0xa1: {  	s6 =	ssub.s32 $0x0, s21;
	[sflag:s23] =	ssyncset.done $0x0  }
0xa2: {  	[sflag:s23] =	ssyncadd.s32 s6;
	_ =	sdelay $0x1  }
0xa3: {  	s24 =	simm.s32 $0x1B8B  }
0xa4: {  	_ =	swait.ge [sflag:s24], $0x1  }
0xa5: {  	[sflag:s24] =	ssyncset.done $0x0  }
0xa6: {  	s25 =	simm.s32 $0x1B8E;
	[sflag:s24] =	ssyncadd.s32 $0xFFFFFFFF  }
0xa7: {  	s26 =	simm.s32 $execute0_lowered;
	[smem:$0x3FD2] =	sst s25  }
0xa8: {  	s6 =	sshll.u32 s26, $0x1;
	_ =	strace $0x80000046;
	[dreg:$0x1] =	wrdreg $0xFFFFFFFF  }
0xa9: {  	s28 =	simm.s32 $_size_execute0_lowered;
	s5 =	sadd.s32 s5, s6;
	[dreg:$0x0] =	wrdreg $0x0  }
0xaa: {  	s6 =	sshll.u32 s28, $0x1;
	[dreg:$0x2] =	wrdreg s5  }
0xab: {  	[dreg:$0x3] =	wrdreg s6  }
0xac: {  	[dreg:$0x4] =	wrdreg $0xC0  }
0xad: {  	_ =	task [dreg:s9], $0x5FFFF  }
0xae: {  	[dreg:$0x1] =	wrdreg $0xFFFFFFFF  }
0xaf: {  	[dreg:$0x0] =	wrdreg $0x60  }
0xb0: {  	[dreg:$0x2] =	wrdreg s19  }
0xb1: {  	[dreg:$0x3] =	wrdreg s2  }
0xb2: {  	[dreg:$0x4] =	wrdreg s4  }
0xb3: {  	[dreg:$0x5] =	wrdreg $0x9  }
0xb4: {  	_ =	task.clear_ibuf [dreg:s9], $0x6FFFF;
	_ =	strace $0x90000046  }
0xb5: {  	s29 =	simm.s32 $0x9;
	_ =	strace $0x80000048  }
0xb6: {  	_ =	swait.ge [sflag:s29], $0x1  }
0xb7: {  	[sflag:s29] =	ssyncadd.s32 $0xFFFFFFFF  }
0xb8: {  	_ =	strace $0x90000048  }
0xb9: {  	_ =	sfence  }
0xba: {  	s30 =	sld [smem:$0x0];
	_ =	sdelay $0x2  }
0xbb: {  	s31 =	sshll.u32 s1, $0xD;
	s1 =	sshrl.u32 s1, $0x2  }
0xbc: {  	s3 =	sand.u32 $0x4000, s31;
	s1 =	sadd.s32 s1, s30  }
0xbd: {  	s0 =	sor.u32 s3, s0;
	s1 =	sshll.u32 s1, $0x11  }
0xbe: {  	s0 =	sor.u32 s1, s0  }
0xbf: {  	s0 =	sadd.s32 $0x8F2B, s0  }
0xc0: {  	[sflag:s0] =	ssyncadd.remote.s32 $0x1  }
0xc1: {  	_ =	sfence.sel $0xFFFF  }
0xc2: {  	[dreg:$0x0] =	wrdreg $0xFFFFFFFF;
	(pc) =	sbr.abs _section_cstart, $3  }
0xc3: {  	[dreg:$0x1] =	wrdreg $0xFFFFFFFF  }
0xc4: {  	_ =	task.clear_ibuf [dreg:s9], $0x2FFFF;
	_ =	strace $0x9FFFFFFF  }
0xc5: {  	(tm) =	ssettm $0x7FFFFFFF  }
tec
execute0_lowered:
.L_overlay_start_1:
0x0: {  	(tag) =	ssettag $0x1  }
0x1: {  	s2 =	rddreg [dreg:$0x0]  }
0x2: {  	s0 =	rddreg [dreg:$0x1];
	s3 =	srdreg.scid  }
0x3: {  	s5 =	rddreg [dreg:$0x2];
	s1 =	stileid.u32  }
0x4: {  	s26 =	simm.s32 $0x880;
	s9 =	simm.s32 $0x1080;
	s10 =	simm.s32 $0x1880  }
0x5: {  	s11 =	simm.s32 $0x2080;
	s12 =	simm.s32 $0x2880;
	s13 =	simm.s32 $0x3080  }
0x6: {  	s14 =	simm.s32 $0x3880;
	s15 =	simm.s32 $0x4080;
	s16 =	simm.s32 $0x4880  }
0x7: {  	s17 =	simm.s32 $0x5080;
	s18 =	simm.s32 $0x5880;
	s19 =	simm.s32 $0x6080  }
0x8: {  	s20 =	simm.s32 $0x6880;
	s21 =	simm.s32 $0x7080;
	s22 =	simm.s32 $0x7880  }
0x9: {  	s23 =	simm.s32 $0x8080;
	s28 =	simm.s32 $0xA080;
	s29 =	simm.s32 $0xA880  }
0xa: {  	s30 =	simm.s32 $0xB080;
	s31 =	simm.s32 $0xB880;
	s4 =	sand.u32 $0x1, s3  }
0xb: {  	s6 =	sshll.u32 s1, $0x4;
	s3 =	simm.s32 $0x0;
	s7 =	sshll.u32 s4, $0x3  }
0xc: {  	s4 =	ssub.s32 $0x2, s4;
	[smem:$0x7FF] =	sst s3;
	s6 =	sor.u32 s7, s6  }
0xd: {  	s24 =	sshrl.u32 s4, $0x1;
	_ =	strace $0x80000047;
	[dreg:$0x6] =	wrdreg s26  }
0xe: {  	s26 =	simm.s32 $0x9880;
	s8 =	smul.u32 $0x300, s6;
	s7 =	ssub.s32 s4, s24  }
0xf: {  	s0 =	sadd.s32 s0, s6;
	s4 =	sadd.s32 $0x100, s2;
	s24 =	simm.s32 $0x8880  }
0x10: {  	v2 =	vlaneseq.u32;
	[dreg:$0x4] =	wrdreg s0;
	s6 =	smax.u32 s7, $0x1;
	s7 =	simm.s32 $0x2  }
0x11: {  	vm0 =	vmmov $0xffff;
	v1 =	vshrl.u32 v2, $0x3;
	s0 =	simm.s32 $0x1;
	s25 =	sadd.s32 s5, s8;
	s5 =	sadd.s32 $0x200, s2  }
0x12: {  	v0 =	vand.u32 $0x7, v2;
	v2 =	vor.u32 $0x8, v2;
	v1 =	vmul.u32 $0x8, v1;
	s8 =	simm.s32 $0x80;
	[dreg:$0x5] =	wrdreg s25;
	s25 =	simm.s32 $0x9080  }
.LBB2_1:
0x13: {  	s1 =	rddreg [dreg:$0x4]  }
0x14: {  	[tilespmem:s3], [sflag:$0x2] =	stream.linear.gather [hbm4b:s1+s3], $0x40, $0x38;
	[tilespmem:$0xC080] =	vst v63  }
0x15: {  	_ =	swait.ge [sflag:s7], $0x40  }
0x16: {  	[sflag:s7] =	ssyncset.done $0x0  }
0x17: {  	[sflag:s7] =	ssyncadd.s32 $0xFFFFFFC0  }
0x18: {  	v3 =	vld [tilespmem:$0x0];
	_ =	sdelay $0x4  }
0x19: {  	v4 =	vshrl.u32 v3, $0x3  }
0x1a: {  	v4 =	vmul.u32 $0x30, v4  }
0x1b: {  	v3 =	vand.u32 $0x7, v3  }
0x1c: {  	v3 =	vor.u32 v3, v4  }
0x1d: {  	v4 =	vperm.xlane v3, v0;
	_ =	sdelay $0x1  }
0x1e: {  	v4 =	vadd.s32 v1, v4;
	_ =	sdelay $0x3  }
0x1f: {  	v3 =	vperm.xlane v3, v2  }
0x20: {  	[tilespmem:s8], [sflag:$0x1] =	stream.indirect_vreg.gather [hbm4b:s2+s3], $0x80, v4, vm0, $0xb8;
	[tilespmem:$0xC080] =	vst v63  }
0x21: {  	s1 =	rddreg [dreg:$0x6];
	v3 =	vadd.s32 v1, v3  }
0x22: {  	[tilespmem:s1], [sflag:$0x1] =	stream.indirect_vreg.gather [hbm4b:s4+s3], $0x80, v4, vm0, $0xb8;
	[tilespmem:$0xC080] =	vst v63  }
0x23: {  	_ = 	snop  }
0x24: {  	[tilespmem:s9], [sflag:$0x1] =	stream.indirect_vreg.gather [hbm4b:s5+s3], $0x80, v4, vm0, $0xb8;
	[tilespmem:$0xC080] =	vst v63  }
0x25: {  	_ = 	snop  }
0x26: {  	[tilespmem:s10], [sflag:$0x1] =	stream.indirect_vreg.gather [hbm4b:s2+s3], $0x80, v3, vm0, $0xb8;
	[tilespmem:$0xC080] =	vst v63  }
0x27: {  	_ = 	snop  }
0x28: {  	[tilespmem:s11], [sflag:$0x1] =	stream.indirect_vreg.gather [hbm4b:s4+s3], $0x80, v3, vm0, $0xb8;
	[tilespmem:$0xC080] =	vst v63  }
0x29: {  	_ = 	snop  }
0x2a: {  	[tilespmem:s12], [sflag:$0x1] =	stream.indirect_vreg.gather [hbm4b:s5+s3], $0x80, v3, vm0, $0xb8;
	[tilespmem:$0xC080] =	vst v63  }
0x2b: {  	v3 =	vld [tilespmem:$0x10];
	_ =	sdelay $0x4  }
0x2c: {  	v61 =	vshrl.u32 v3, $0x3  }
0x2d: {  	v4 =	vmul.u32 $0x30, v61  }
0x2e: {  	v3 =	vand.u32 $0x7, v3  }
0x2f: {  	v3 =	vor.u32 v3, v4  }
0x30: {  	v4 =	vperm.xlane v3, v0;
	_ =	sdelay $0x1  }
0x31: {  	v4 =	vadd.s32 v1, v4;
	_ =	sdelay $0x3  }
0x32: {  	v3 =	vperm.xlane v3, v2  }
0x33: {  	[tilespmem:s13], [sflag:$0x1] =	stream.indirect_vreg.gather [hbm4b:s2+s3], $0x80, v4, vm0, $0xb8;
	[tilespmem:$0xC080] =	vst v63  }
0x34: {  	v3 =	vadd.s32 v1, v3  }
0x35: {  	[tilespmem:s14], [sflag:$0x1] =	stream.indirect_vreg.gather [hbm4b:s4+s3], $0x80, v4, vm0, $0xb8;
	[tilespmem:$0xC080] =	vst v63  }
0x36: {  	_ = 	snop  }
0x37: {  	[tilespmem:s15], [sflag:$0x1] =	stream.indirect_vreg.gather [hbm4b:s5+s3], $0x80, v4, vm0, $0xb8;
	[tilespmem:$0xC080] =	vst v63  }
0x38: {  	_ = 	snop  }
0x39: {  	[tilespmem:s16], [sflag:$0x1] =	stream.indirect_vreg.gather [hbm4b:s2+s3], $0x80, v3, vm0, $0xb8;
	[tilespmem:$0xC080] =	vst v63  }
0x3a: {  	_ = 	snop  }
0x3b: {  	[tilespmem:s17], [sflag:$0x1] =	stream.indirect_vreg.gather [hbm4b:s4+s3], $0x80, v3, vm0, $0xb8;
	[tilespmem:$0xC080] =	vst v63  }
0x3c: {  	_ = 	snop  }
0x3d: {  	[tilespmem:s18], [sflag:$0x1] =	stream.indirect_vreg.gather [hbm4b:s5+s3], $0x80, v3, vm0, $0xb8;
	[tilespmem:$0xC080] =	vst v63  }
0x3e: {  	v3 =	vld [tilespmem:$0x20];
	_ =	sdelay $0x4  }
0x3f: {  	v62 =	vshrl.u32 v3, $0x3  }
0x40: {  	v4 =	vmul.u32 $0x30, v62  }
0x41: {  	v3 =	vand.u32 $0x7, v3  }
0x42: {  	v3 =	vor.u32 v3, v4  }
0x43: {  	v4 =	vperm.xlane v3, v0;
	_ =	sdelay $0x1  }
0x44: {  	v4 =	vadd.s32 v1, v4;
	_ =	sdelay $0x3  }
0x45: {  	v3 =	vperm.xlane v3, v2  }
0x46: {  	[tilespmem:s19], [sflag:$0x1] =	stream.indirect_vreg.gather [hbm4b:s2+s3], $0x80, v4, vm0, $0xb8;
	[tilespmem:$0xC080] =	vst v63  }
0x47: {  	v3 =	vadd.s32 v1, v3  }
0x48: {  	[tilespmem:s20], [sflag:$0x1] =	stream.indirect_vreg.gather [hbm4b:s4+s3], $0x80, v4, vm0, $0xb8;
	[tilespmem:$0xC080] =	vst v63  }
0x49: {  	_ = 	snop  }
0x4a: {  	[tilespmem:s21], [sflag:$0x1] =	stream.indirect_vreg.gather [hbm4b:s5+s3], $0x80, v4, vm0, $0xb8;
	[tilespmem:$0xC080] =	vst v63  }
0x4b: {  	_ = 	snop  }
0x4c: {  	[tilespmem:s22], [sflag:$0x1] =	stream.indirect_vreg.gather [hbm4b:s2+s3], $0x80, v3, vm0, $0xb8;
	[tilespmem:$0xC080] =	vst v63  }
0x4d: {  	_ = 	snop  }
0x4e: {  	[tilespmem:s23], [sflag:$0x1] =	stream.indirect_vreg.gather [hbm4b:s4+s3], $0x80, v3, vm0, $0xb8;
	[tilespmem:$0xC080] =	vst v63  }
0x4f: {  	_ = 	snop  }
0x50: {  	[tilespmem:s24], [sflag:$0x1] =	stream.indirect_vreg.gather [hbm4b:s5+s3], $0x80, v3, vm0, $0xb8;
	[tilespmem:$0xC080] =	vst v63  }
0x51: {  	v3 =	vld [tilespmem:$0x30];
	_ =	sdelay $0x4  }
0x52: {  	v63 =	vshrl.u32 v3, $0x3  }
0x53: {  	v4 =	vmul.u32 $0x30, v63  }
0x54: {  	v3 =	vand.u32 $0x7, v3  }
0x55: {  	v3 =	vor.u32 v3, v4  }
0x56: {  	v4 =	vperm.xlane v3, v0;
	_ =	sdelay $0x1  }
0x57: {  	v4 =	vadd.s32 v1, v4;
	_ =	sdelay $0x3  }
0x58: {  	v3 =	vperm.xlane v3, v2  }
0x59: {  	[tilespmem:s25], [sflag:$0x1] =	stream.indirect_vreg.gather [hbm4b:s2+s3], $0x80, v4, vm0, $0xb8;
	[tilespmem:$0xC080] =	vst v63  }
0x5a: {  	v3 =	vadd.s32 v1, v3  }
0x5b: {  	[tilespmem:s26], [sflag:$0x1] =	stream.indirect_vreg.gather [hbm4b:s4+s3], $0x80, v4, vm0, $0xb8;
	[tilespmem:$0xC080] =	vst v63  }
0x5c: {  	_ = 	snop  }
0x5d: {  	[tilespmem:s28], [sflag:$0x1] =	stream.indirect_vreg.gather [hbm4b:s5+s3], $0x80, v4, vm0, $0xb8;
	[tilespmem:$0xC080] =	vst v63  }
0x5e: {  	_ = 	snop  }
0x5f: {  	[tilespmem:s29], [sflag:$0x1] =	stream.indirect_vreg.gather [hbm4b:s2+s3], $0x80, v3, vm0, $0xb8;
	[tilespmem:$0xC080] =	vst v63  }
0x60: {  	_ = 	snop  }
0x61: {  	[tilespmem:s30], [sflag:$0x1] =	stream.indirect_vreg.gather [hbm4b:s4+s3], $0x80, v3, vm0, $0xb8;
	[tilespmem:$0xC080] =	vst v63  }
0x62: {  	_ = 	snop  }
0x63: {  	[tilespmem:s31], [sflag:$0x1] =	stream.indirect_vreg.gather [hbm4b:s5+s3], $0x80, v3, vm0, $0xb8;
	[tilespmem:$0xC080] =	vst v63  }
0x64: {  	_ =	swait.ge [sflag:s0], $0xC000  }
0x65: {  	p0 =	sne.s32 s6, $0x1;
	[sflag:s0] =	ssyncset.done $0x0  }
.Ltmp0:
0x66: {  	s1 =	rddreg [dreg:$0x5];
	[sflag:s0] =	ssyncadd.s32 $0xFFFF4000;
	(pc) =	sbr.rel @p0 .LBB2_1-.Ltmp0, $4  }
0x67: {  	[hbm4b:s1+s3] =	stream.linear.scatter [tilespmem:s8], [sflag:$0x2], $0xC000, $0x38;
	[tilespmem:$0xC080] =	vst v63  }
0x68: {  	_ =	swait.ge [sflag:s7], $0xC000  }
0x69: {  	[sflag:s7] =	ssyncset.done $0x0  }
0x6a: {  	s6 =	sadd.s32 $0xFFFFFFFF, s6;
	[sflag:s7] =	ssyncadd.s32 $0xFFFF4000  }
0x6b: {  	_ =	sfence.sel $0x180000  }
0x6c: {  	[bflag:$0x0] =	sbarrier.arrive $0xFFFF  }
0x6d: {  	_ =	strace $0x90000047  }
0x6e: {  	s0 =	stileid.u32;
	[bflag:$0x2] =	sbarrier.arrive $0xFFFF  }
0x6f: {  	p0 =	sne.s32 s0, $0x0;
	s0 =	rddreg [dreg:$0x3]  }
0x70: {  	s0 =	sadd.s32 @!p0 $0x100000, s0  }
0x71: {  	[sflag:s0] =	ssyncadd.tile.s32 @!p0 $0x1;
	_ =	shalt  }
.Lfunc_end2:
_tile_overlayer_lowered:
.L_overlay_start_2:
0x72: {  	(tag) =	ssettag $0x2  }
0x73: {  	s0 =	rddreg [dreg:$0x0];
	s2 =	stileid.u32  }
0x74: {  	s1 =	rddreg [dreg:$0x1];
	p0 =	sne.s32 s2, $0x0  }
0x75: {  	s3 =	rddreg [dreg:$0x2];
	[bflag:$0x3] =	sbarrier.arrive $0xFFFF;
	s2 =	simm.s32 @!p0 $0x1C02  }
0x76: {  	[timem:s3], [sflag:s2] =	dma.local @!p0 [hbm:s0], s1  }
0x77: {  	s0 =	simm.s32 @!p0 $0x2  }
0x78: {  	_ =	swait.ge @!p0 [sflag:s0], s1  }
0x79: {  	s1 =	ssub.s32 @!p0 $0x0, s1;
	[sflag:s0] =	ssyncset.done @!p0 $0x0  }
0x7a: {  	[sflag:s0] =	ssyncadd.s32 @!p0 s1  }
0x7b: {  	[bflag:$0x3] =	sbarrier.arrive $0xFFFF  }
0x7c: {  	_ =	shalt  }

// kernel: sparse-core-data-format-call.cloned.1.call-start
scs
called_computation_lowered:
.L_overlay_start_0:
0x0: {  	s2 =	sld [smem:$0x3FD9]  }
0x1: {  	s3 =	sld [smem:$0x3FFE];
	_ =	sdelay $0x1  }
0x2: {  	s1 =	srdreg.scid  }
0x3: {  	s0 =	sand.u32 $0x1, s1  }
0x4: {  	s18 =	sshll.u32 s0, $0xA;
	s2 =	sadd.s32 s3, s2  }
0x5: {  	s2 =	sadd.s32 s2, s18  }
0x6: {  	[smem:$0x3FB8] =	sst s2  }
0x7: {  	_ = 	snop  }
0x8: {  	s2 =	sld [smem:$0x3FD0];
	(tm) =	ssettm $0x1  }
0x9: {  	s19 =	sld [smem:$0x3FFB];
	_ =	sdelay $0x3  }
0xa: {  	_ =	strace s19  }
0xb: {  	s3 =	sld [smem:$0x3FFC];
	_ =	sdelay $0x3  }
0xc: {  	_ =	strace s3  }
0xd: {  	s3 =	sld [smem:$0x3FFD];
	_ =	sdelay $0x3  }
0xe: {  	_ =	strace s3  }
0xf: {  	_ =	strace $0x8FFFFFFF  }
0x10: {  	s20 =	sld [smem:$0x3FDB];
	_ =	sdelay $0x1  }
0x11: {  	s4 =	simm.s32 $_scs_section_size  }
0x12: {  	s5 =	simm.s32 $_size__tile_overlayer_lowered;
	s6 =	simm.s32 $_tile_overlayer_lowered  }
0x13: {  	s23 =	simm.s32 $0x1BFF;
	s22 =	sshll.u32 s6, $0x1;
	s3 =	sadd.s32 s4, s20  }
0x14: {  	s7 =	simm.s32 $0x0;
	s21 =	sshll.u32 s5, $0x1;
	s5 =	sadd.s32 s22, s3  }
0x15: {  	[timem:s7], [sflag:s23] =	dma.local [hbm:s5], s21  }
0x16: {  	_ =	swait.ge [sflag:s23], s21  }
0x17: {  	s4 =	ssub.s32 $0x0, s21;
	[sflag:s23] =	ssyncset.done $0x0  }
0x18: {  	[sflag:s23] =	ssyncadd.s32 s4;
	_ =	sdelay $0x1  }
0x19: {  	s24 =	simm.s32 $0x1B8B  }
0x1a: {  	_ =	swait.ge [sflag:s24], $0x1  }
0x1b: {  	[sflag:s24] =	ssyncset.done $0x0  }
0x1c: {  	s26 =	simm.s32 $0x1B8E;
	s25 =	sld [smem:$0x3FFE];
	[sflag:s24] =	ssyncadd.s32 $0xFFFFFFFF  }
0x1d: {  	s27 =	simm.s32 $execute0_lowered;
	[smem:$0x3FD2] =	sst s26  }
0x1e: {  	s5 =	sshll.u32 s27, $0x1;
	_ =	strace $0x80000049;
	[dreg:$0x1] =	wrdreg $0xFFFFFFFF  }
0x1f: {  	s28 =	simm.s32 $_size_execute0_lowered;
	s3 =	sadd.s32 s3, s5;
	[dreg:$0x0] =	wrdreg $0x0  }
0x20: {  	s5 =	sshll.u32 s28, $0x1;
	[dreg:$0x2] =	wrdreg s3  }
0x21: {  	[dreg:$0x3] =	wrdreg s5  }
0x22: {  	[dreg:$0x4] =	wrdreg $0xC0  }
0x23: {  	_ =	task [dreg:s7], $0x5FFFF  }
0x24: {  	[dreg:$0x1] =	wrdreg $0xFFFFFFFF  }
0x25: {  	[dreg:$0x0] =	wrdreg $0x60  }
0x26: {  	[dreg:$0x2] =	wrdreg s25  }
0x27: {  	[dreg:$0x3] =	wrdreg s2  }
0x28: {  	[dreg:$0x4] =	wrdreg $0x9  }
0x29: {  	_ =	task.clear_ibuf [dreg:s7], $0x5FFFF;
	_ =	strace $0x90000049  }
0x2a: {  	s29 =	simm.s32 $0x9;
	_ =	strace $0x8000004B  }
0x2b: {  	_ =	swait.ge [sflag:s29], $0x1  }
0x2c: {  	[sflag:s29] =	ssyncadd.s32 $0xFFFFFFFF  }
0x2d: {  	_ =	strace $0x9000004B  }
0x2e: {  	_ =	sfence  }
0x2f: {  	s30 =	sld [smem:$0x0];
	_ =	sdelay $0x2  }
0x30: {  	s31 =	sshll.u32 s1, $0xD;
	s1 =	sshrl.u32 s1, $0x2  }
0x31: {  	s3 =	sand.u32 $0x4000, s31;
	s1 =	sadd.s32 s1, s30  }
0x32: {  	s0 =	sor.u32 s3, s0;
	s1 =	sshll.u32 s1, $0x11  }
0x33: {  	s0 =	sor.u32 s1, s0  }
0x34: {  	s0 =	sadd.s32 $0x8F2B, s0  }
0x35: {  	[sflag:s0] =	ssyncadd.remote.s32 $0x1  }
0x36: {  	_ =	sfence.sel $0xFFFF  }
0x37: {  	[dreg:$0x0] =	wrdreg $0xFFFFFFFF;
	(pc) =	sbr.abs _section_cstart, $3  }
0x38: {  	[dreg:$0x1] =	wrdreg $0xFFFFFFFF  }
0x39: {  	_ =	task.clear_ibuf [dreg:s7], $0x2FFFF;
	_ =	strace $0x9FFFFFFF  }
0x3a: {  	(tm) =	ssettm $0x7FFFFFFF  }
0x3b: {  	_ =	shalt  }
tec
execute0_lowered:
.L_overlay_start_1:
0x0: {  	(tag) =	ssettag $0x1  }
0x1: {  	s4 =	rddreg [dreg:$0x0]  }
0x2: {  	s0 =	stileid.u32;
	s3 =	rddreg [dreg:$0x1]  }
0x3: {  	s1 =	rddreg [dreg:$0x2];
	_ =	strace $0x8000004A;
	s7 =	srdreg.scid  }
0x4: {  	s8 =	simm.s32 $0x2;
	s16 =	simm.s32 $0x0;
	s2 =	sshll.u32 s0, $0x7  }
0x5: {  	s9 =	simm.s32 $0x800;
	s15 =	simm.s32 $0x0;
	s5 =	ssub.s32 $0x800, s2  }
0x6: {  	s10 =	simm.s32 $0x0;
	s11 =	simm.s32 $0x0;
	s6 =	sand.u32 $0x780, s5  }
0x7: {  	s14 =	simm.s32 $0x0;
	p0 =	sne.s32 s6, $0x0;
	s6 =	simm.s32 $0x1  }
.Ltmp0:
0x8: {  	s5 =	sshrl.u32 s5, $0xB;
	s6 =	simm.s32 @!p0 $0x0;
	(pc) =	sbr.rel .LBB1_1-.Ltmp0, $4  }
0x9: {  	s4 =	sadd.s32 $0x2600, s4;
	s7 =	sshll.u32 s7, $0x7;
	s6 =	sadd.s32 s6, s5  }
0xa: {  	s7 =	sand.u32 $0x80, s7;
	s5 =	simm.s32 $0x1;
	s6 =	smul.u32 $0x7D, s6  }
0xb: {  	s13 =	smov.u32 s2;
	s12 =	smov.u32 s7;
	[sflag:s5] =	ssyncpa.u1 $0x0  }
0xc: {  	p0 =	por $0x0, $0x0;
	[sflag:s8] =	ssyncpa.u1 $0x0;
	s8 =	sadd.s32 $0x1, s6  }
.LBB1_4:
0xd: {  	v5 =	vld [tilespmem:s18+$0xFFFFFFD0];
	[tilespmem:s20+$0x2040 ss:$0x81] =	vst.msk $0xffff, v3  }
0xe: {  	v58 =	vld [tilespmem:s18+$0xFFFFFFE0];
	[tilespmem:s20+$0x2850 ss:$0x81] =	vst.msk $0xffff, v4;
	s21 =	sshra.s32 s21, $0x2;
	p1 =	sgt.s32 s10, $0x7C7F;
	s22 =	smov.u32 s10  }
0xf: {  	v59 =	vld [tilespmem:s18+$0xFFFFFFF0];
	[tilespmem:s20+$0x3060 ss:$0x81] =	vst.msk $0xffff, v2;
	s30 =	sshra.s32 s10, $0x1F;
	s23 =	sshra.s32 s11, $0x1F;
	s19 =	sadd.s32 s21, s19  }
0x10: {  	v60 =	vld [tilespmem:s18+$0x0];
	[tilespmem:s20+$0x0 ss:$0x81] =	vst.msk $0xffff, v1;
	s22 =	simm.s32 @!p1 $0x7C7F;
	p1 =	sgt.s32 s11, $0x780;
	s21 =	smov.u32 s11  }
0x11: {  	v61 =	vld [tilespmem:s18+$0x10];
	s31 =	sand.u32 s30, s10;
	s23 =	sand.u32 s23, s11;
	[tilespmem:s19+$0x3870 ss:$0x81] =	vst.msk $0xffff, v0;
	s21 =	simm.s32 @!p1 $0x780  }
0x12: {  	v62 =	vld [tilespmem:s18+$0x20];
	s20 =	ssub.s32 s22, s31;
	s21 =	ssub.s32 s21, s23;
	[tilespmem:s19+$0x810 ss:$0x81] =	vst.msk $0xffff, v5  }
0x13: {  	v63 =	vld [tilespmem:s18+$0xFFFFFFC0];
	s24 =	sadd.s32 $0xFFFF8381, s20;
	s20 =	ssub.s32 $0x7CFF, s20;
	s25 =	sadd.s32 $0xFFFFF880, s21;
	[tilespmem:s19+$0x1020 ss:$0x81] =	vst.msk $0xffff, v58  }
0x14: {  	p1 =	sgt.s32 s24, $0x7F;
	s18 =	ssub.s32 $0x800, s21;
	[tilespmem:s19+$0x1830 ss:$0x81] =	vst.msk $0xffff, v59;
	p2 =	sgt.s32 s25, $0x7F  }
0x15: {  	s26 =	sshrl.u32 s11, $0x3;
	s20 =	simm.s32 @p1 $0x0;
	[tilespmem:s19+$0x2040 ss:$0x81] =	vst.msk $0xffff, v60;
	s18 =	simm.s32 @p2 $0x0  }
0x16: {  	s28 =	sand.u32 $0x7, s11;
	s27 =	sand.u32 $0xFF, s26;
	[tilespmem:s19+$0x2850 ss:$0x81] =	vst.msk $0xffff, v61;
	s18 =	smul.u32 s18, s20  }
0x17: {  	s29 =	sshll.u32 s10, $0x8;
	s21 =	sshll.u32 s28, $0x12;
	[tilespmem:s19+$0x3060 ss:$0x81] =	vst.msk $0xffff, v62;
	s20 =	sadd.s32 s3, s27  }
0x18: {  	[tilespmem:s19+$0x0 ss:$0x81] =	vst.msk $0xffff, v63;
	s31 =	sor.u32 $0x80, s21;
	s30 =	sadd.s32 s29, s20;
	s18 =	sand.u32 $0x3FFFFFFF, s18  }
0x19: {  	[hbm4b:s30+s31] =	stream.strided.scatter [tilespmem:s17], [sflag:$0x2], s18, s9, s31, $0x20;
	[tilespmem:$0x10100] =	vst v63  }
.LBB1_5:
0x1a: {  	p1 =	slt.u32 s14, $0x2  }
0x1b: {  	s18 =	smov.u32 s16;
	p2 =	sgt.s32 @!p1 s16, $0x7C7F;
	s17 =	sshra.s32 @!p1 s16, $0x1F  }
0x1c: {  	p3 =	sgt.s32 @!p1 s15, $0x780;
	s19 =	sshra.s32 @!p1 s15, $0x1F;
	p2 =	por !p2, p1  }
0x1d: {  	s16 =	sand.u32 @!p1 s17, s16;
	p3 =	por !p3, p1;
	s17 =	smov.u32 s15  }
0x1e: {  	s15 =	sand.u32 @!p1 s19, s15;
	s18 =	simm.s32 @p2 $0x7C7F;
	s17 =	simm.s32 @p3 $0x780  }
0x1f: {  	s16 =	ssub.s32 @!p1 s18, s16;
	s15 =	ssub.s32 @!p1 s17, s15  }
0x20: {  	s19 =	smov.u32 s13;
	s17 =	sadd.s32 @!p1 $0xFFFF8381, s16;
	s18 =	sadd.s32 @!p1 $0xFFFFF880, s15  }
0x21: {  	s16 =	ssub.s32 @!p1 $0x7CFF, s16;
	p2 =	sgt.s32 @!p1 s17, $0x7F;
	p3 =	sgt.s32 @!p1 s18, $0x7F  }
0x22: {  	s15 =	ssub.s32 @!p1 $0x800, s15;
	p2 =	por !p2, p1;
	p3 =	por !p3, p1  }
0x23: {  	s17 =	sadd.s32 $0x100, s12;
	s16 =	simm.s32 @!p2 $0x0;
	s15 =	simm.s32 @!p3 $0x0  }
0x24: {  	p2 =	sgt.s32 s17, $0x7CFE;
	s15 =	smul.u32 @!p1 s15, s16;
	s16 =	sadd.s32 $0x800, s13  }
0x25: {  	s19 =	smov.u32 @p2 s16  }
0x26: {  	s17 =	smov.u32 @p2 s7;
	p2 =	sgt.s32 s19, $0x7FF  }
0x27: {  	s19 =	smov.u32 @p2 s2;
	p2 =	sne.s32 s14, s8  }
.Ltmp1:
0x28: {  	p0 =	por !p0, !p0;
	s18 =	simm.s32 @!p1 $0x2;
	(pc) =	sbr.rel @!p2 .LBB1_6-.Ltmp1, $4  }
0x29: {  	s16 =	smov.u32 s10;
	s10 =	smov.u32 s12;
	s15 =	sand.u32 @!p1 $0x3FFFFFFF, s15  }
0x2a: {  	s12 =	smov.u32 s17;
	_ =	swait.ge @!p1 [sflag:s18], s15;
	s20 =	ssub.s32 @!p1 $0x0, s15  }
0x2b: {  	s15 =	smov.u32 s11;
	s14 =	sadd.s32 $0x1, s14;
	[sflag:s18] =	ssyncset.done @!p1 $0x0  }
0x2c: {  	s11 =	smov.u32 s13;
	s13 =	smov.u32 s19;
	[sflag:s18] =	ssyncadd.s32 @!p1 s20  }
.LBB1_1:
0x2d: {  	p1 =	sge.u32 s14, s6  }
0x2e: {  	s17 =	sshrl.u32 @!p1 s13, $0x3  }
0x2f: {  	s18 =	sshll.u32 @!p1 s12, $0x3;
	s17 =	smul.u32 @!p1 $0x3E800, s17  }
0x30: {  	s19 =	sshll.u32 @!p1 s13, $0x7;
	s18 =	sand.u32 @!p1 $0xFFFFFC00, s18  }
0x31: {  	s17 =	sadd.s32 @!p1 s17, s18;
	s18 =	sand.u32 @!p1 $0x380, s19  }
0x32: {  	s19 =	sand.u32 @!p1 $0x7F, s12;
	s17 =	sor.u32 @!p1 s18, s17  }
0x33: {  	s18 =	sor.u32 @!p1 s19, s17  }
0x34: {  	s19 =	smulhi.u32 @!p1 $0x10624DD3, s18;
	_ =	sdelay $0x1  }
0x35: {  	s17 =	smulhi.u32 @!p1 $0x10624DD3, s17;
	s19 =	sshrl.u32 @!p1 s19, $0xB  }
0x36: {  	s19 =	smul.u32 @!p1 $0x7D00, s19  }
0x37: {  	s31 =	sadd.s32 $0xFFFFFFFF, s14;
	s20 =	sxor.u32 @!p1 $0xFFFFFFFF, s14;
	s17 =	sshrl.u32 @!p1 s17, $0xB  }
0x38: {  	s20 =	sshll.u32 @!p1 s20, $0xE;
	s17 =	sand.u32 @!p1 $0x7FF, s17;
	s18 =	ssub.s32 @!p1 s18, s19  }
0x39: {  	s17 =	smul.u32 @!p1 $0xFA0, s17;
	s19 =	sshrl.u32 @!p1 s18, $0x3;
	s18 =	sand.u32 @!p1 $0x7, s18  }
0x3a: {  	s20 =	sand.u32 @!p1 $0x4000, s20;
	s19 =	sadd.s32 @!p1 s4, s19;
	s18 =	sshll.u32 @!p1 s18, $0x12  }
0x3b: {  	s17 =	sadd.s32 @!p1 s17, s19;
	s18 =	sor.u32 @!p1 $0x400, s18;
	s19 =	simm.s32 @!p1 $0x3E800  }
0x3c: {  	[tilespmem:s20], [sflag:$0x1] =	stream.strided.gather @!p1 [hbm4b:s17+s18], $0x4000, s19, s18, $0x38;
	[tilespmem:$0x10100] =	vst v63  }
0x3d: {  	p1 =	sge.u32 s31, s6  }
.Ltmp2:
0x3e: {  	_ = 	snop;
	(pc) =	sbr.rel @p1 .LBB1_5-.Ltmp2, $1  }
0x3f: {  	_ =	sdelay $0x3  }
0x40: {  	s17 =	simm.s32 $0x1  }
0x41: {  	_ =	swait.ge [sflag:s5], $0x4000;
	s17 =	simm.s32 @!p0 $0x0  }
0x42: {  	[sflag:s5] =	ssyncset.done $0x0;
	s18 =	sshll.u32 s17, $0xE  }
0x43: {  	[sflag:s5] =	ssyncadd.s32 $0xFFFFC000;
	s18 =	sor.u32 $0x40, s18  }
0x44: {  	s17 =	smul.u32 $0x10200, s17;
	v0 =	vld [tilespmem:s18+$0x30]  }
0x45: {  	v1 =	vld [tilespmem:s18+$0xFFFFFFD0]  }
0x46: {  	s17 =	sshrl.u32 s17, $0x2;
	v5 =	vld [tilespmem:s18+$0xFFFFFFE0]  }
0x47: {  	v6 =	vld [tilespmem:s18+$0xFFFFFFF0];
	s19 =	sor.u32 $0x8000, s17  }
0x48: {  	s31 =	sand.u32 $0x1, s14;
	v3 =	vld [tilespmem:s18+$0x0];
	s20 =	sadd.s32 $0x0, s19  }
0x49: {  	v4 =	vld [tilespmem:s18+$0x10];
	s17 =	smul.u32 $0x10200, s31;
	[tilespmem:s20+$0x3870 ss:$0x81] =	vst.msk $0xffff, v0  }
0x4a: {  	v2 =	vld [tilespmem:s18+$0x20];
	[tilespmem:s20+$0x810 ss:$0x81] =	vst.msk $0xffff, v1  }
0x4b: {  	s17 =	sshrl.u32 s17, $0x2;
	v1 =	vld [tilespmem:s18+$0xFFFFFFC0];
	[tilespmem:s20+$0x1020 ss:$0x81] =	vst.msk $0xffff, v5;
	s18 =	sadd.s32 $0x80, s18  }
0x4c: {  	s21 =	simm.s32 $0x4;
	s22 =	simm.s32 $0x8;
	s17 =	sor.u32 $0x8000, s17;
	[tilespmem:s20+$0x1830 ss:$0x81] =	vst.msk $0xffff, v6;
	v0 =	vld [tilespmem:s18+$0x30]  }
.LBB1_3:
0x4d: {  	p1 =	sne.s32 s22, $0x1FC;
	v5 =	vld [tilespmem:s18+$0xFFFFFFD0];
	[tilespmem:s20+$0x2040 ss:$0x81] =	vst.msk $0xffff, v3  }
0x4e: {  	v6 =	vld [tilespmem:s18+$0xFFFFFFE0];
	[tilespmem:s20+$0x2850 ss:$0x81] =	vst.msk $0xffff, v4  }
0x4f: {  	s23 =	sshra.s32 s21, $0x2;
	s21 =	smov.u32 s22;
	v7 =	vld [tilespmem:s18+$0xFFFFFFF0];
	[tilespmem:s20+$0x3060 ss:$0x81] =	vst.msk $0xffff, v2  }
.Ltmp3:
0x50: {  	v3 =	vld [tilespmem:s18+$0x0];
	[tilespmem:s20+$0x0 ss:$0x81] =	vst.msk $0xffff, v1;
	s20 =	sadd.s32 s23, s19;
	(pc) =	sbr.rel @p1 .LBB1_3-.Ltmp3, $4  }
0x51: {  	v4 =	vld [tilespmem:s18+$0x10];
	[tilespmem:s20+$0x3870 ss:$0x81] =	vst.msk $0xffff, v0  }
0x52: {  	[tilespmem:s20+$0x810 ss:$0x81] =	vst.msk $0xffff, v5;
	v2 =	vld [tilespmem:s18+$0x20]  }
0x53: {  	v1 =	vld [tilespmem:s18+$0xFFFFFFC0];
	[tilespmem:s20+$0x1020 ss:$0x81] =	vst.msk $0xffff, v6;
	s18 =	sadd.s32 $0x80, s18  }
0x54: {  	s22 =	sadd.s32 $0x4, s22;
	v0 =	vld [tilespmem:s18+$0x30];
	[tilespmem:s20+$0x1830 ss:$0x81] =	vst.msk $0xffff, v7  }
.Ltmp4:
0x55: {  	_ = 	snop;
	(pc) =	sbr.rel .LBB1_4-.Ltmp4, $1  }
0x56: {  	_ =	sdelay $0x3  }
.LBB1_6:
0x57: {  	_ =	sfence.sel $0x180000  }
0x58: {  	s2 =	simm.s32 $0x1;
	[bflag:$0x0] =	sbarrier.arrive $0xFFFF  }
0x59: {  	s31 =	simm.s32 $0x2;
	[sflag:s2] =	ssyncpa.u1 $0x1  }
0x5a: {  	[sflag:s31] =	ssyncpa.u1 $0x1  }
0x5b: {  	p0 =	sne.s32 s0, $0x0;
	_ =	strace $0x9000004A  }
0x5c: {  	s0 =	sadd.s32 @!p0 $0x100000, s1;
	[bflag:$0x2] =	sbarrier.arrive $0xFFFF  }
0x5d: {  	[sflag:s0] =	ssyncadd.tile.s32 @!p0 $0x1;
	_ =	shalt  }
.Lfunc_end1:
_tile_overlayer_lowered:
.L_overlay_start_2:
0x5e: {  	(tag) =	ssettag $0x2  }
0x5f: {  	s0 =	rddreg [dreg:$0x0];
	s2 =	stileid.u32  }
0x60: {  	s1 =	rddreg [dreg:$0x1];
	p0 =	sne.s32 s2, $0x0  }
0x61: {  	s3 =	rddreg [dreg:$0x2];
	[bflag:$0x3] =	sbarrier.arrive $0xFFFF;
	s2 =	simm.s32 @!p0 $0x1C01  }
0x62: {  	[timem:s3], [sflag:s2] =	dma.local @!p0 [hbm:s0], s1  }
0x63: {  	s0 =	simm.s32 @!p0 $0x1  }
0x64: {  	_ =	swait.ge @!p0 [sflag:s0], s1  }
0x65: {  	s1 =	ssub.s32 @!p0 $0x0, s1;
	[sflag:s0] =	ssyncset.done @!p0 $0x0  }
0x66: {  	[sflag:s0] =	ssyncadd.s32 @!p0 s1  }
0x67: {  	[bflag:$0x3] =	sbarrier.arrive $0xFFFF  }
0x68: {  	_ =	shalt  }

</sc_bundles>
